<compile_context>
chip_gen: v7x
topology: tpu7x:2x2x1
jax: 0.10.2.dev20260603
libtpu: 0.0.44.dev20260713+nightly
codegen_flags: <defaults>
</compile_context>

<pallas_src>
import functools
import jax
import jax.numpy as jnp
from jax import lax
from jax.experimental import pallas as pl
from jax.experimental.pallas import tpu as pltpu
from jax.experimental.pallas import tpu_sc as plsc

N = 10000
E = 160000
IN_DIM = 768
H = 128
NC, NS = 2, 16
CHUNK = 128
D = H // NC
D3 = 16
ROWS = 1024
GRID = 10
NPAD = ROWS * GRID
EPAD = NC * NS * 40 * CHUNK
EW = EPAD // NS
EW2 = EPAD // (NC * NS)
RP = NPAD // NS


def _mesh():
    return plsc.VectorSubcoreMesh(
        core_axis_name="c", subcore_axis_name="s", num_cores=NC, num_subcores=NS
    )



def _deg_call(dstp):

    @functools.partial(
        pl.kernel,
        out_type=jax.ShapeDtypeStruct((NC, NPAD, D3), jnp.float32),
        mesh=_mesh(),
        compiler_params=pltpu.CompilerParams(use_tc_tiling_on_sc=False),
        scratch_types=[
            pltpu.VMEM((CHUNK, D3), jnp.float32),
            pltpu.VMEM((EW2 // CHUNK, 1, CHUNK), jnp.int32),
            pltpu.VMEM_SHARED((NPAD, D3), jnp.float32),
        ],
    )
    def k(dst_hbm, out_hbm, buf_v, di_all, acc):
        c = lax.axis_index("c")
        s = lax.axis_index("s")
        w = c * NS + s

        @pl.loop(0, CHUNK)
        def _(i):
            buf_v[i, :] = jnp.zeros((D3,), jnp.float32)

        @pl.loop(0, RP // CHUNK)
        def _(j):
            pltpu.sync_copy(buf_v, acc.at[pl.ds(s * RP + j * CHUNK, CHUNK)])

        @pl.loop(0, CHUNK)
        def _(i):
            buf_v[i, :] = jnp.ones((D3,), jnp.float32)

        pltpu.sync_copy(dst_hbm.at[w], di_all)
        plsc.subcore_barrier()

        @pl.loop(0, EW2 // CHUNK)
        def _(j):
            pltpu.sync_copy(buf_v, acc.at[di_all.at[j, 0]], add=True)

        plsc.subcore_barrier()
        pltpu.sync_copy(acc.at[pl.ds(s * RP, RP)], out_hbm.at[c, pl.ds(s * RP, RP)])

    return k(dstp)


def _conv_call(gsplit, srcp, dstp):

    @functools.partial(
        pl.kernel,
        out_type=jax.ShapeDtypeStruct((NC, NPAD, D), jnp.float32),
        mesh=_mesh(),
        compiler_params=pltpu.CompilerParams(use_tc_tiling_on_sc=False),
        scratch_types=[
            pltpu.VMEM((EW,), jnp.int32),
            pltpu.VMEM((EW // CHUNK, 1, CHUNK), jnp.int32),
            pltpu.VMEM((CHUNK, D), jnp.float32),
            pltpu.VMEM_SHARED((NPAD, D), jnp.float32),
        ],
    )
    def k(g_hbm, src_hbm, dst_hbm, out_hbm, si_all, di_all, rows_v, acc):
        c = lax.axis_index("c")
        s = lax.axis_index("s")

        pltpu.sync_copy(src_hbm.at[pl.ds(s * EW, EW)], si_all)
        pltpu.sync_copy(dst_hbm.at[s], di_all)
        pltpu.sync_copy(g_hbm.at[c, pl.ds(s * RP, RP)], acc.at[pl.ds(s * RP, RP)])
        plsc.subcore_barrier()

        @pl.loop(0, EW // CHUNK)
        def _(j):
            pltpu.sync_copy(g_hbm.at[c].at[si_all.at[pl.ds(j * CHUNK, CHUNK)]], rows_v)
            pltpu.sync_copy(rows_v, acc.at[di_all.at[j, 0]], add=True)

        plsc.subcore_barrier()
        pltpu.sync_copy(acc.at[pl.ds(s * RP, RP)], out_hbm.at[c, pl.ds(s * RP, RP)])

    return k(gsplit, srcp, dstp)


def _conv3_call(g3, srcp, dstp):

    @functools.partial(
        pl.kernel,
        out_type=jax.ShapeDtypeStruct((NC, NPAD, D3), jnp.float32),
        mesh=_mesh(),
        compiler_params=pltpu.CompilerParams(use_tc_tiling_on_sc=False),
        scratch_types=[
            pltpu.VMEM((EW2,), jnp.int32),
            pltpu.VMEM((EW2 // CHUNK, 1, CHUNK), jnp.int32),
            pltpu.VMEM((CHUNK, D3), jnp.float32),
            pltpu.VMEM_SHARED((NPAD, D3), jnp.float32),
        ],
    )
    def k(g_hbm, src_hbm, dst_hbm, out_hbm, si_all, di_all, rows_v, acc):
        c = lax.axis_index("c")
        s = lax.axis_index("s")
        w = c * NS + s

        pltpu.sync_copy(src_hbm.at[pl.ds(w * EW2, EW2)], si_all)
        pltpu.sync_copy(dst_hbm.at[w], di_all)
        pltpu.sync_copy(g_hbm.at[pl.ds(s * RP, RP)], acc.at[pl.ds(s * RP, RP)])
        plsc.subcore_barrier()

        @pl.loop(0, EW2 // CHUNK)
        def _(j):
            pltpu.sync_copy(g_hbm.at[si_all.at[pl.ds(j * CHUNK, CHUNK)]], rows_v)
            pltpu.sync_copy(rows_v, acc.at[di_all.at[j, 0]], add=True)

        plsc.subcore_barrier()
        pltpu.sync_copy(acc.at[pl.ds(s * RP, RP)], out_hbm.at[c, pl.ds(s * RP, RP)])

    return k(g3, srcp, dstp)


def _pair_call(u, v, p0p, p1p):

    @functools.partial(
        pl.kernel,
        out_type=jax.ShapeDtypeStruct((EPAD,), jnp.float32),
        mesh=_mesh(),
        compiler_params=pltpu.CompilerParams(use_tc_tiling_on_sc=False, needs_layout_passes=False),
        scratch_types=[
            pltpu.VMEM((NPAD,), jnp.float32),
            pltpu.VMEM((NPAD,), jnp.float32),
            pltpu.VMEM((EW2,), jnp.int32),
            pltpu.VMEM((EW2,), jnp.int32),
            pltpu.VMEM((EW2,), jnp.float32),
        ],
    )
    def k(u_hbm, v_hbm, p0_hbm, p1_hbm, out_hbm, u_v, v_v, i0_v, i1_v, o_v):
        c = lax.axis_index("c")
        s = lax.axis_index("s")
        w = c * NS + s
        base = w * EW2

        pltpu.sync_copy(u_hbm, u_v)
        pltpu.sync_copy(v_hbm, v_v)
        pltpu.sync_copy(p0_hbm.at[pl.ds(base, EW2)], i0_v)
        pltpu.sync_copy(p1_hbm.at[pl.ds(base, EW2)], i1_v)

        @pl.loop(0, EW2 // 16)
        def _(j):
            i0 = i0_v[pl.ds(j * 16, 16)]
            i1 = i1_v[pl.ds(j * 16, 16)]
            a = plsc.load_gather(u_v, [i0])
            b = plsc.load_gather(v_v, [i1])
            o_v[pl.ds(j * 16, 16)] = a + b

        pltpu.sync_copy(o_v, out_hbm.at[pl.ds(base, EW2)])

    return k(u, v, p0p, p1p)



def _mm_call(x, W1):

    def body(x_ref, w_ref, o_ref):
        o_ref[...] = jnp.dot(x_ref[...], w_ref[...],
                             preferred_element_type=jnp.float32)

    return pl.pallas_call(
        body,
        grid=(GRID,),
        in_specs=[
            pl.BlockSpec((ROWS, IN_DIM), lambda i: (i, 0)),
            pl.BlockSpec((IN_DIM, H), lambda i: (0, 0)),
        ],
        out_specs=pl.BlockSpec((ROWS, H), lambda i: (i, 0)),
        out_shape=jax.ShapeDtypeStruct((NPAD, H), jnp.float32),
    )(x, W1)


def _scale_split_call(h, degp):

    def body(h_ref, deg_ref, g_ref, dinv_ref):
        deg = deg_ref[0, :, 0:1] + deg_ref[1, :, 0:1] + 1.0
        dinv = lax.rsqrt(deg)
        dinv_ref[...] = dinv
        g = h_ref[...] * dinv
        g_ref[0] = g[:, :D]
        g_ref[1] = g[:, D:]

    return pl.pallas_call(
        body,
        grid=(GRID,),
        in_specs=[
            pl.BlockSpec((ROWS, H), lambda i: (i, 0)),
            pl.BlockSpec((NC, ROWS, D3), lambda i: (0, i, 0)),
        ],
        out_specs=[
            pl.BlockSpec((NC, ROWS, D), lambda i: (0, i, 0)),
            pl.BlockSpec((ROWS, 1), lambda i: (i, 0)),
        ],
        out_shape=[
            jax.ShapeDtypeStruct((NC, NPAD, D), jnp.float32),
            jax.ShapeDtypeStruct((NPAD, 1), jnp.float32),
        ],
    )(h, degp)


def _mid_call(y, dinv, b, W, Wuv):

    def body(y_ref, dinv_ref, b_ref, w_ref, wuv_ref, g_ref, uv_ref):
        yb = jnp.concatenate([y_ref[0], y_ref[1]], axis=1)
        dinv = dinv_ref[...]
        xb = jnp.tanh(dinv * yb + b_ref[...])
        g = jnp.dot(xb, w_ref[...], preferred_element_type=jnp.float32) * dinv
        g_ref[0] = g[:, :D]
        g_ref[1] = g[:, D:]
        uv_ref[...] = jnp.dot(xb, wuv_ref[...], preferred_element_type=jnp.float32)

    return pl.pallas_call(
        body,
        grid=(GRID,),
        in_specs=[
            pl.BlockSpec((NC, ROWS, D), lambda i: (0, i, 0)),
            pl.BlockSpec((ROWS, 1), lambda i: (i, 0)),
            pl.BlockSpec((1, H), lambda i: (0, 0)),
            pl.BlockSpec((H, H), lambda i: (0, 0)),
            pl.BlockSpec((H, 2), lambda i: (0, 0)),
        ],
        out_specs=[
            pl.BlockSpec((NC, ROWS, D), lambda i: (0, i, 0)),
            pl.BlockSpec((ROWS, 2), lambda i: (i, 0)),
        ],
        out_shape=[
            jax.ShapeDtypeStruct((NC, NPAD, D), jnp.float32),
            jax.ShapeDtypeStruct((NPAD, 2), jnp.float32),
        ],
    )(y, dinv, b, W, Wuv)


def _lay3_call(y, dinv, b, W3, Wuv):

    def body(y_ref, dinv_ref, b_ref, w3_ref, wuv_ref, g3_ref, uv_ref):
        yb = jnp.concatenate([y_ref[0], y_ref[1]], axis=1)
        dinv = dinv_ref[...]
        xb = jnp.tanh(dinv * yb + b_ref[...])
        g3 = jnp.dot(xb, w3_ref[...], preferred_element_type=jnp.float32) * dinv
        g3_ref[...] = jnp.broadcast_to(g3, (ROWS, D3))
        uv_ref[...] = jnp.dot(xb, wuv_ref[...], preferred_element_type=jnp.float32)

    return pl.pallas_call(
        body,
        grid=(GRID,),
        in_specs=[
            pl.BlockSpec((NC, ROWS, D), lambda i: (0, i, 0)),
            pl.BlockSpec((ROWS, 1), lambda i: (i, 0)),
            pl.BlockSpec((1, H), lambda i: (0, 0)),
            pl.BlockSpec((H, 1), lambda i: (0, 0)),
            pl.BlockSpec((H, 2), lambda i: (0, 0)),
        ],
        out_specs=[
            pl.BlockSpec((ROWS, D3), lambda i: (i, 0)),
            pl.BlockSpec((ROWS, 2), lambda i: (i, 0)),
        ],
        out_shape=[
            jax.ShapeDtypeStruct((NPAD, D3), jnp.float32),
            jax.ShapeDtypeStruct((NPAD, 2), jnp.float32),
        ],
    )(y, dinv, b, W3, Wuv)


def _uv_call(y3p, g3, dinv, uv1, uv2, b3, wc3u, wc3v, bcv):

    def body(y3_ref, g3_ref, dinv_ref, uv1_ref, uv2_ref, b3_ref, wcu_ref,
             wcv_ref, bc_ref, u_ref, v_ref):
        y3 = y3_ref[0, :, 0:1] + y3_ref[1, :, 0:1] - g3_ref[:, 0:1]
        x3 = jnp.tanh(dinv_ref[...] * y3 + b3_ref[...])
        u_ref[...] = uv1_ref[:, 0:1] + uv2_ref[:, 0:1] + x3 * wcu_ref[...] + bc_ref[...]
        v_ref[...] = uv1_ref[:, 1:2] + uv2_ref[:, 1:2] + x3 * wcv_ref[...]

    one = pl.BlockSpec((1, 1), lambda i: (0, 0))
    return pl.pallas_call(
        body,
        grid=(GRID,),
        in_specs=[
            pl.BlockSpec((NC, ROWS, D3), lambda i: (0, i, 0)),
            pl.BlockSpec((ROWS, D3), lambda i: (i, 0)),
            pl.BlockSpec((ROWS, 1), lambda i: (i, 0)),
            pl.BlockSpec((ROWS, 2), lambda i: (i, 0)),
            pl.BlockSpec((ROWS, 2), lambda i: (i, 0)),
            one, one, one, one,
        ],
        out_specs=[
            pl.BlockSpec((ROWS, 1), lambda i: (i, 0)),
            pl.BlockSpec((ROWS, 1), lambda i: (i, 0)),
        ],
        out_shape=[
            jax.ShapeDtypeStruct((NPAD, 1), jnp.float32),
            jax.ShapeDtypeStruct((NPAD, 1), jnp.float32),
        ],
    )(y3p, g3, dinv, uv1, uv2, b3, wc3u, wc3v, bcv)



@jax.jit
def kernel(x, edge_index, edge_pairs, W1, b1, W2, b2, W3, b3, Wc, bc):
    f32 = jnp.float32
    src = edge_index[0].astype(jnp.int32)
    dst = edge_index[1].astype(jnp.int32)
    npad = jnp.full((EPAD - E,), N, jnp.int32)
    zpad = jnp.zeros((EPAD - E,), jnp.int32)
    srcp = jnp.concatenate([src, npad])
    dstp = jnp.concatenate([dst, npad])
    dst16 = dstp.reshape(NS, EW // CHUNK, 1, CHUNK)
    dst32 = dstp.reshape(NC * NS, EW2 // CHUNK, 1, CHUNK)
    p0p = jnp.concatenate([edge_pairs[:, 0].astype(jnp.int32), zpad])
    p1p = jnp.concatenate([edge_pairs[:, 1].astype(jnp.int32), zpad])

    wc = Wc[:, 0]
    Wuv1 = jnp.stack([wc[0:H], wc[257:257 + H]], axis=1)
    Wuv2 = jnp.stack([wc[H:2 * H], wc[257 + H:257 + 2 * H]], axis=1)
    wc3u = wc[256].reshape(1, 1)
    wc3v = wc[513].reshape(1, 1)
    bcv = bc.reshape(1, 1).astype(f32)

    degp = _deg_call(dst32)
    h1 = _mm_call(x, W1)
    gs1, dinv = _scale_split_call(h1, degp)
    y1 = _conv_call(gs1, srcp, dst16)
    gs2, uv1 = _mid_call(y1, dinv, b1.reshape(1, H), W2, Wuv1)
    y2 = _conv_call(gs2, srcp, dst16)
    g3, uv2 = _lay3_call(y2, dinv, b2.reshape(1, H), W3, Wuv2)
    y3p = _conv3_call(g3, srcp, dst32)
    u, v = _uv_call(y3p, g3, dinv, uv1, uv2, b3.reshape(1, 1), wc3u, wc3v, bcv)
    o = _pair_call(u.reshape(NPAD), v.reshape(NPAD), p0p, p1p)
    return o[:E]

# --- scband reference (transcript-rebuilt; emitter-appended) ---
"""Pipeline reference for scband-sentence-dgcnn-70875550318662 (READ-ONLY COPY).

The authoritative reference and input builder live on the scoring server;
editing this copy changes nothing except your own understanding.
"""

import jax, jax.numpy as jnp
import numpy as np

N_NODES = 10000
N_EDGES = 160000
IN_DIM = 768
HIDDEN = 128


def gcn_conv(x, W, b, src, dst, n):
    # GCNConv: x' = D^{-1/2} (A + I) D^{-1/2} (x W) + b
    h = x @ W
    loop = jnp.arange(n, dtype=src.dtype)
    s = jnp.concatenate([src, loop])
    d = jnp.concatenate([dst, loop])
    deg = jnp.zeros((n,), dtype=h.dtype).at[d].add(1.0)
    dinv = jnp.where(deg > 0, deg ** -0.5, 0.0)
    norm = dinv[s] * dinv[d]
    msg = h[s] * norm[:, None]
    out = jnp.zeros((n, h.shape[1]), dtype=h.dtype).at[d].add(msg)
    return out + b


def setup_inputs(seed: int = 0) -> dict:
    key = jax.random.key(seed)
    ks = jax.random.split(key, 12)
    x = jax.random.normal(ks[0], (N_NODES, IN_DIM), dtype=jnp.float32)
    edge_index = jax.random.randint(ks[1], (2, N_EDGES), 0, N_NODES, dtype=jnp.int64)
    edge_pairs = jax.random.randint(ks[2], (N_EDGES, 2), 0, N_NODES, dtype=jnp.int64)
    def glorot(k, shape):
        fan_in, fan_out = shape[0], shape[1]
        lim = (6.0 / (fan_in + fan_out)) ** 0.5
        return jax.random.uniform(k, shape, dtype=jnp.float32, minval=-lim, maxval=lim)
    W1 = glorot(ks[3], (IN_DIM, HIDDEN));  b1 = jnp.zeros((HIDDEN,), jnp.float32)
    W2 = glorot(ks[4], (HIDDEN, HIDDEN));  b2 = jnp.zeros((HIDDEN,), jnp.float32)
    W3 = glorot(ks[5], (HIDDEN, 1));       b3 = jnp.zeros((1,), jnp.float32)
    final_latent = HIDDEN * 2 + 1
    Wc = glorot(ks[6], (final_latent * 2, 1)); bc = jnp.zeros((1,), jnp.float32)
    return {"x": x, "edge_index": edge_index, "edge_pairs": edge_pairs,
            "W1": W1, "b1": b1, "W2": W2, "b2": b2, "W3": W3, "b3": b3,
            "Wc": Wc, "bc": bc}


def reference(x, edge_index, edge_pairs, W1, b1, W2, b2, W3, b3, Wc, bc):
    # SentenceEncoder is frozen (require_grad=False); x is the precomputed
    # CLS sentence embedding per node (encoder output x[0]).
    src, dst = edge_index[0], edge_index[1]
    n = x.shape[0]
    xs = [x]
    xs.append(jnp.tanh(gcn_conv(xs[-1], W1, b1, src, dst, n)))
    xs.append(jnp.tanh(gcn_conv(xs[-1], W2, b2, src, dst, n)))
    xs.append(jnp.tanh(gcn_conv(xs[-1], W3, b3, src, dst, n)))
    z = jnp.concatenate(xs[1:], axis=-1)  # [N, hidden*2 + 1]
    s = z[edge_pairs[:, 0]]
    t = z[edge_pairs[:, 1]]
    out = jnp.concatenate([s, t], axis=1) @ Wc + bc
    return out.squeeze(-1)

if __name__ == "__main__":
    import jax
    _d = setup_inputs()
    print(jax.jit(kernel)(*tuple(_d.values())))

</pallas_src>

<mosaic_0001>
#map = affine_map<(d0, d1) -> (0, 0, 0, 0)>
#map1 = affine_map<(d0, d1) -> (0, 0, 0)>
module attributes {stable_mosaic.version = 14 : i64} {
  func.func @k(%arg0: i32, %arg1: i32, %arg2: memref<32x40x1x128xi32, #tpu.memory_space<hbm>>, %arg3: memref<2x10240x16xf32, #tpu.memory_space<hbm>>, %arg4: memref<128x16xf32, #tpu.memory_space<vmem>>, %arg5: memref<40x1x128xi32, #tpu.memory_space<vmem>>, %arg6: memref<10240x16xf32, #tpu.memory_space<vmem_shared>>) attributes {dimension_semantics = [#tpu.dimension_semantics<core_parallel>, #tpu.dimension_semantics<subcore_parallel>], iteration_bounds = array<i64: 2, 16>, scalar_prefetch = 0 : i64, scratch_operands = 3 : i64, tpu.core_type = #tpu.core_type<sc_vector_subcore>, window_params = [{transform_indices = #map}, {transform_indices = #map1}]} {
    %mul3A = arith.constant 16 : i32
    %mul3A_0 = arith.muli %arg0, %mul3A : i32
    %add3A = arith.addi %mul3A_0, %arg1 : i32
    %scan3A = arith.constant 0 : i32
    %scan3A_1 = arith.constant 128 : i32
    %scan3A_2 = arith.addi %scan3A, %scan3A_1 : i32
    %scan3A_3 = arith.constant 1 : i32
    scf.for %scan3A_25 = %scan3A to %scan3A_2 step %scan3A_3  : i32 {
      %mul3A_26 = arith.constant 1 : i32
      %mul3A_27 = arith.muli %scan3A_25, %mul3A_26 : i32
      %add3A_28 = arith.constant 0 : i32
      %add3A_29 = arith.addi %add3A_28, %mul3A_27 : i32
      %broadcast_in_dim3A = arith.constant 0.000000e+00 : f32
      %broadcast_in_dim3A_30 = vector.broadcast %broadcast_in_dim3A : f32 to vector<16xf32>
      %swap3A = arith.index_cast %add3A_29 : i32 to index
      %swap3A_31 = arith.constant 0 : index
      %swap3A_32 = tpu.vector_load %arg4[%swap3A, %swap3A_31] {strides = array<i32>} : memref<128x16xf32, #tpu.memory_space<vmem>>, vector<1x16xf32>,
      %swap3A_33 = vector.shape_cast %swap3A_32 : vector<1x16xf32> to vector<16xf32>
      %swap3A_34 = vector.shape_cast %broadcast_in_dim3A_30 : vector<16xf32> to vector<1x16xf32>
      tpu.vector_store %arg4[%swap3A, %swap3A_31], %swap3A_34 {strides = array<i32>} : memref<128x16xf32, #tpu.memory_space<vmem>>, vector<1x16xf32>,
    }
    %scan3A_4 = arith.constant 128 : i32
    %scan3A_5 = arith.constant 0 : i32
    %scan3A_6 = arith.constant 5 : i32
    %scan3A_7 = arith.addi %scan3A_5, %scan3A_6 : i32
    %scan3A_8 = arith.constant 1 : i32
    scf.for %scan3A_25 = %scan3A_5 to %scan3A_7 step %scan3A_8  : i32 {
      %mul3A_26 = arith.constant 1 : i32
      %mul3A_27 = arith.muli %scan3A_25, %mul3A_26 : i32
      %add3A_28 = arith.constant 0 : i32
      %add3A_29 = arith.addi %add3A_28, %mul3A_27 : i32
      %mul3A_30 = arith.constant 640 : i32
      %mul3A_31 = arith.muli %arg1, %mul3A_30 : i32
      %mul3A_32 = arith.constant 128 : i32
      %mul3A_33 = arith.muli %add3A_29, %mul3A_32 : i32
      %add3A_34 = arith.addi %mul3A_31, %mul3A_33 : i32
      "tpu.region"() ({
        %run_scoped3A = tpu.sem_alloc : memref<!tpu.dma_semaphore, #tpu.memory_space<semaphore_mem>>
        %dma_start3A = arith.constant 0 : i32
        %dma_start3A_35 = tpu.memref_slice %arg6[%add3A_34, %dma_start3A] : memref<10240x16xf32, #tpu.memory_space<vmem_shared>> -> memref<128x16xf32, #tpu.memory_space<vmem_shared>>
        %dma_start3A_36 = arith.constant 0 : i32
        %dma_start3A_37 = tpu.memref_slice %arg6[%add3A_34, %dma_start3A_36] : memref<10240x16xf32, #tpu.memory_space<vmem_shared>> -> memref<128x16xf32, #tpu.memory_space<vmem_shared>>
        tpu.enqueue_dma source(%arg4 : memref<128x16xf32, #tpu.memory_space<vmem>>) target(%dma_start3A_37 : memref<128x16xf32, #tpu.memory_space<vmem_shared>>) target_semaphore(%run_scoped3A : memref<!tpu.dma_semaphore, #tpu.memory_space<semaphore_mem>>)
        %dma_wait3A = arith.constant 0 : i32
        %dma_wait3A_38 = tpu.memref_slice %arg6[%add3A_34, %dma_wait3A] : memref<10240x16xf32, #tpu.memory_space<vmem_shared>> -> memref<128x16xf32, #tpu.memory_space<vmem_shared>>
        %dma_wait3A_39 = arith.constant 0 : i32
        %dma_wait3A_40 = tpu.memref_slice %arg6[%add3A_34, %dma_wait3A_39] : memref<10240x16xf32, #tpu.memory_space<vmem_shared>> -> memref<128x16xf32, #tpu.memory_space<vmem_shared>>
        tpu.wait_dma2 semaphore(%run_scoped3A : memref<!tpu.dma_semaphore, #tpu.memory_space<semaphore_mem>>) src(%arg4 : memref<128x16xf32, #tpu.memory_space<vmem>>) dst(%dma_wait3A_40 : memref<128x16xf32, #tpu.memory_space<vmem_shared>>)
        tpu.yield
      }) : () -> ()
    }
    %scan3A_9 = arith.constant 5 : i32
    %scan3A_10 = arith.constant 0 : i32
    %scan3A_11 = arith.constant 128 : i32
    %scan3A_12 = arith.addi %scan3A_10, %scan3A_11 : i32
    %scan3A_13 = arith.constant 1 : i32
    scf.for %scan3A_25 = %scan3A_10 to %scan3A_12 step %scan3A_13  : i32 {
      %mul3A_26 = arith.constant 1 : i32
      %mul3A_27 = arith.muli %scan3A_25, %mul3A_26 : i32
      %add3A_28 = arith.constant 0 : i32
      %add3A_29 = arith.addi %add3A_28, %mul3A_27 : i32
      %broadcast_in_dim3A = arith.constant 1.000000e+00 : f32
      %broadcast_in_dim3A_30 = vector.broadcast %broadcast_in_dim3A : f32 to vector<16xf32>
      %swap3A = arith.index_cast %add3A_29 : i32 to index
      %swap3A_31 = arith.constant 0 : index
      %swap3A_32 = tpu.vector_load %arg4[%swap3A, %swap3A_31] {strides = array<i32>} : memref<128x16xf32, #tpu.memory_space<vmem>>, vector<1x16xf32>,
      %swap3A_33 = vector.shape_cast %swap3A_32 : vector<1x16xf32> to vector<16xf32>
      %swap3A_34 = vector.shape_cast %broadcast_in_dim3A_30 : vector<16xf32> to vector<1x16xf32>
      tpu.vector_store %arg4[%swap3A, %swap3A_31], %swap3A_34 {strides = array<i32>} : memref<128x16xf32, #tpu.memory_space<vmem>>, vector<1x16xf32>,
    }
    %scan3A_14 = arith.constant 128 : i32
    "tpu.region"() ({
      %run_scoped3A = tpu.sem_alloc : memref<!tpu.dma_semaphore, #tpu.memory_space<semaphore_mem>>
      %dma_start3A = arith.constant 0 : i32
      %dma_start3A_25 = arith.constant 0 : i32
      %dma_start3A_26 = arith.constant 0 : i32
      %dma_start3A_27 = tpu.memref_slice %arg2[%add3A, %dma_start3A, %dma_start3A_25, %dma_start3A_26] : memref<32x40x1x128xi32, #tpu.memory_space<hbm>> -> memref<1x40x1x128xi32, #tpu.memory_space<hbm>>
      %dma_start3A_28 = tpu.memref_squeeze %dma_start3A_27 : memref<1x40x1x128xi32, #tpu.memory_space<hbm>> -> memref<40x1x128xi32, #tpu.memory_space<hbm>>
      %dma_start3A_29 = arith.constant 0 : i32
      %dma_start3A_30 = arith.constant 0 : i32
      %dma_start3A_31 = arith.constant 0 : i32
      %dma_start3A_32 = tpu.memref_slice %arg2[%add3A, %dma_start3A_29, %dma_start3A_30, %dma_start3A_31] : memref<32x40x1x128xi32, #tpu.memory_space<hbm>> -> memref<1x40x1x128xi32, #tpu.memory_space<hbm>>
      %dma_start3A_33 = tpu.memref_squeeze %dma_start3A_32 : memref<1x40x1x128xi32, #tpu.memory_space<hbm>> -> memref<40x1x128xi32, #tpu.memory_space<hbm>>
      tpu.enqueue_dma source(%dma_start3A_33 : memref<40x1x128xi32, #tpu.memory_space<hbm>>) target(%arg5 : memref<40x1x128xi32, #tpu.memory_space<vmem>>) target_semaphore(%run_scoped3A : memref<!tpu.dma_semaphore, #tpu.memory_space<semaphore_mem>>)
      %dma_wait3A = arith.constant 0 : i32
      %dma_wait3A_34 = arith.constant 0 : i32
      %dma_wait3A_35 = arith.constant 0 : i32
      %dma_wait3A_36 = tpu.memref_slice %arg2[%add3A, %dma_wait3A, %dma_wait3A_34, %dma_wait3A_35] : memref<32x40x1x128xi32, #tpu.memory_space<hbm>> -> memref<1x40x1x128xi32, #tpu.memory_space<hbm>>
      %dma_wait3A_37 = tpu.memref_squeeze %dma_wait3A_36 : memref<1x40x1x128xi32, #tpu.memory_space<hbm>> -> memref<40x1x128xi32, #tpu.memory_space<hbm>>
      %dma_wait3A_38 = arith.constant 0 : i32
      %dma_wait3A_39 = arith.constant 0 : i32
      %dma_wait3A_40 = arith.constant 0 : i32
      %dma_wait3A_41 = tpu.memref_slice %arg2[%add3A, %dma_wait3A_38, %dma_wait3A_39, %dma_wait3A_40] : memref<32x40x1x128xi32, #tpu.memory_space<hbm>> -> memref<1x40x1x128xi32, #tpu.memory_space<hbm>>
      %dma_wait3A_42 = tpu.memref_squeeze %dma_wait3A_41 : memref<1x40x1x128xi32, #tpu.memory_space<hbm>> -> memref<40x1x128xi32, #tpu.memory_space<hbm>>
      tpu.wait_dma2 semaphore(%run_scoped3A : memref<!tpu.dma_semaphore, #tpu.memory_space<semaphore_mem>>) src(%dma_wait3A_42 : memref<40x1x128xi32, #tpu.memory_space<hbm>>) dst(%arg5 : memref<40x1x128xi32, #tpu.memory_space<vmem>>)
      tpu.yield
    }) : () -> ()
    %barrier3A = arith.constant 0 : index
    tpu.barrier barrier_id(%barrier3A)
    %scan3A_15 = arith.constant 0 : i32
    %scan3A_16 = arith.constant 40 : i32
    %scan3A_17 = arith.addi %scan3A_15, %scan3A_16 : i32
    %scan3A_18 = arith.constant 1 : i32
    scf.for %scan3A_25 = %scan3A_15 to %scan3A_17 step %scan3A_18  : i32 {
      %mul3A_26 = arith.constant 1 : i32
      %mul3A_27 = arith.muli %scan3A_25, %mul3A_26 : i32
      %add3A_28 = arith.constant 0 : i32
      %add3A_29 = arith.addi %add3A_28, %mul3A_27 : i32
      %run_scoped3A = arith.constant 0 : i32
      "tpu.region"() ({
        %run_scoped3A_30 = tpu.sem_alloc : memref<!tpu.dma_semaphore, #tpu.memory_space<semaphore_mem>>
        %dma_start3A = arith.constant 0 : i32
        %dma_start3A_31 = tpu.memref_slice %arg5[%add3A_29, %run_scoped3A, %dma_start3A] : memref<40x1x128xi32, #tpu.memory_space<vmem>> -> memref<1x1x128xi32, #tpu.memory_space<vmem>>
        %dma_start3A_32 = tpu.memref_squeeze %dma_start3A_31 : memref<1x1x128xi32, #tpu.memory_space<vmem>> -> memref<128xi32, #tpu.memory_space<vmem>>
        %dma_start3A_33 = arith.constant 0 : i32
        %dma_start3A_34 = arith.constant 0 : i32
        %dma_start3A_35 = tpu.memref_slice %arg6[%dma_start3A_33, %dma_start3A_34] : memref<10240x16xf32, #tpu.memory_space<vmem_shared>> -> memref<10240x16xf32, #tpu.memory_space<vmem_shared>>
        tpu.enqueue_indirect_dma source(%arg4 : memref<128x16xf32, #tpu.memory_space<vmem>>) target(%dma_start3A_35 : memref<10240x16xf32, #tpu.memory_space<vmem_shared>>) offsets(%dma_start3A_32 : memref<128xi32, #tpu.memory_space<vmem>>) semaphore(%run_scoped3A_30 : memref<!tpu.dma_semaphore, #tpu.memory_space<semaphore_mem>>) {add = true}
        %dma_wait3A = arith.constant 0 : i32
        %dma_wait3A_36 = tpu.memref_slice %arg5[%add3A_29, %run_scoped3A, %dma_wait3A] : memref<40x1x128xi32, #tpu.memory_space<vmem>> -> memref<1x1x128xi32, #tpu.memory_space<vmem>>
        %dma_wait3A_37 = tpu.memref_squeeze %dma_wait3A_36 : memref<1x1x128xi32, #tpu.memory_space<vmem>> -> memref<128xi32, #tpu.memory_space<vmem>>
        %dma_wait3A_38 = arith.constant 0 : i32
        %dma_wait3A_39 = arith.constant 0 : i32
        %dma_wait3A_40 = tpu.memref_slice %arg6[%dma_wait3A_38, %dma_wait3A_39] : memref<10240x16xf32, #tpu.memory_space<vmem_shared>> -> memref<10240x16xf32, #tpu.memory_space<vmem_shared>>
        tpu.wait_indirect_dma semaphore(%run_scoped3A_30 : memref<!tpu.dma_semaphore, #tpu.memory_space<semaphore_mem>>) src(%arg4 : memref<128x16xf32, #tpu.memory_space<vmem>>) dst(%dma_wait3A_40 : memref<10240x16xf32, #tpu.memory_space<vmem_shared>>)
        tpu.yield
      }) : () -> ()
    }
    %scan3A_19 = arith.constant 40 : i32
    %barrier3A_20 = arith.constant 0 : index
    tpu.barrier barrier_id(%barrier3A_20)
    %mul3A_21 = arith.constant 640 : i32
    %mul3A_22 = arith.muli %arg1, %mul3A_21 : i32
    %mul3A_23 = arith.constant 640 : i32
    %mul3A_24 = arith.muli %arg1, %mul3A_23 : i32
    "tpu.region"() ({
      %run_scoped3A = tpu.sem_alloc : memref<!tpu.dma_semaphore, #tpu.memory_space<semaphore_mem>>
      %dma_start3A = arith.constant 0 : i32
      %dma_start3A_25 = tpu.memref_slice %arg3[%arg0, %mul3A_24, %dma_start3A] : memref<2x10240x16xf32, #tpu.memory_space<hbm>> -> memref<1x640x16xf32, #tpu.memory_space<hbm>>
      %dma_start3A_26 = tpu.memref_squeeze %dma_start3A_25 : memref<1x640x16xf32, #tpu.memory_space<hbm>> -> memref<640x16xf32, #tpu.memory_space<hbm>>
      %dma_start3A_27 = arith.constant 0 : i32
      %dma_start3A_28 = tpu.memref_slice %arg6[%mul3A_22, %dma_start3A_27] : memref<10240x16xf32, #tpu.memory_space<vmem_shared>> -> memref<640x16xf32, #tpu.memory_space<vmem_shared>>
      tpu.enqueue_dma source(%dma_start3A_28 : memref<640x16xf32, #tpu.memory_space<vmem_shared>>) target(%dma_start3A_26 : memref<640x16xf32, #tpu.memory_space<hbm>>) target_semaphore(%run_scoped3A : memref<!tpu.dma_semaphore, #tpu.memory_space<semaphore_mem>>)
      %dma_wait3A = arith.constant 0 : i32
      %dma_wait3A_29 = tpu.memref_slice %arg3[%arg0, %mul3A_24, %dma_wait3A] : memref<2x10240x16xf32, #tpu.memory_space<hbm>> -> memref<1x640x16xf32, #tpu.memory_space<hbm>>
      %dma_wait3A_30 = tpu.memref_squeeze %dma_wait3A_29 : memref<1x640x16xf32, #tpu.memory_space<hbm>> -> memref<640x16xf32, #tpu.memory_space<hbm>>
      %dma_wait3A_31 = arith.constant 0 : i32
      %dma_wait3A_32 = tpu.memref_slice %arg6[%mul3A_22, %dma_wait3A_31] : memref<10240x16xf32, #tpu.memory_space<vmem_shared>> -> memref<640x16xf32, #tpu.memory_space<vmem_shared>>
      tpu.wait_dma2 semaphore(%run_scoped3A : memref<!tpu.dma_semaphore, #tpu.memory_space<semaphore_mem>>) src(%dma_wait3A_32 : memref<640x16xf32, #tpu.memory_space<vmem_shared>>) dst(%dma_wait3A_30 : memref<640x16xf32, #tpu.memory_space<hbm>>)
      tpu.yield
    }) : () -> ()
    return
  }
}

#map = affine_map<(d0, d1) -> (0, 0, 0)>
#map1 = affine_map<(d0, d1) -> (0)>
#map2 = affine_map<(d0, d1) -> (0, 0, 0, 0)>
module attributes {stable_mosaic.version = 14 : i64} {
  func.func @k(%arg0: i32, %arg1: i32, %arg2: memref<2x10240x64xf32, #tpu.memory_space<hbm>>, %arg3: memref<163840xi32, #tpu.memory_space<hbm>>, %arg4: memref<16x80x1x128xi32, #tpu.memory_space<hbm>>, %arg5: memref<2x10240x64xf32, #tpu.memory_space<hbm>>, %arg6: memref<10240xi32, #tpu.memory_space<vmem>>, %arg7: memref<80x1x128xi32, #tpu.memory_space<vmem>>, %arg8: memref<128x64xf32, #tpu.memory_space<vmem>>, %arg9: memref<10240x64xf32, #tpu.memory_space<vmem_shared>>) attributes {dimension_semantics = [#tpu.dimension_semantics<core_parallel>, #tpu.dimension_semantics<subcore_parallel>], iteration_bounds = array<i64: 2, 16>, scalar_prefetch = 0 : i64, scratch_operands = 4 : i64, tpu.core_type = #tpu.core_type<sc_vector_subcore>, window_params = [{transform_indices = #map}, {transform_indices = #map1}, {transform_indices = #map2}, {transform_indices = #map}]} {
    %mul3A = arith.constant 10240 : i32
    %mul3A_0 = arith.muli %arg1, %mul3A : i32
    "tpu.region"() ({
      %run_scoped3A = tpu.sem_alloc : memref<!tpu.dma_semaphore, #tpu.memory_space<semaphore_mem>>
      %dma_start3A = tpu.memref_slice %arg3[%mul3A_0] : memref<163840xi32, #tpu.memory_space<hbm>> -> memref<10240xi32, #tpu.memory_space<hbm>>
      %dma_start3A_14 = tpu.memref_slice %arg3[%mul3A_0] : memref<163840xi32, #tpu.memory_space<hbm>> -> memref<10240xi32, #tpu.memory_space<hbm>>
      tpu.enqueue_dma source(%dma_start3A_14 : memref<10240xi32, #tpu.memory_space<hbm>>) target(%arg6 : memref<10240xi32, #tpu.memory_space<vmem>>) target_semaphore(%run_scoped3A : memref<!tpu.dma_semaphore, #tpu.memory_space<semaphore_mem>>)
      %dma_wait3A = tpu.memref_slice %arg3[%mul3A_0] : memref<163840xi32, #tpu.memory_space<hbm>> -> memref<10240xi32, #tpu.memory_space<hbm>>
      %dma_wait3A_15 = tpu.memref_slice %arg3[%mul3A_0] : memref<163840xi32, #tpu.memory_space<hbm>> -> memref<10240xi32, #tpu.memory_space<hbm>>
      tpu.wait_dma2 semaphore(%run_scoped3A : memref<!tpu.dma_semaphore, #tpu.memory_space<semaphore_mem>>) src(%dma_wait3A_15 : memref<10240xi32, #tpu.memory_space<hbm>>) dst(%arg6 : memref<10240xi32, #tpu.memory_space<vmem>>)
      tpu.yield
    }) : () -> ()
    "tpu.region"() ({
      %run_scoped3A = tpu.sem_alloc : memref<!tpu.dma_semaphore, #tpu.memory_space<semaphore_mem>>
      %dma_start3A = arith.constant 0 : i32
      %dma_start3A_14 = arith.constant 0 : i32
      %dma_start3A_15 = arith.constant 0 : i32
      %dma_start3A_16 = tpu.memref_slice %arg4[%arg1, %dma_start3A, %dma_start3A_14, %dma_start3A_15] : memref<16x80x1x128xi32, #tpu.memory_space<hbm>> -> memref<1x80x1x128xi32, #tpu.memory_space<hbm>>
      %dma_start3A_17 = tpu.memref_squeeze %dma_start3A_16 : memref<1x80x1x128xi32, #tpu.memory_space<hbm>> -> memref<80x1x128xi32, #tpu.memory_space<hbm>>
      %dma_start3A_18 = arith.constant 0 : i32
      %dma_start3A_19 = arith.constant 0 : i32
      %dma_start3A_20 = arith.constant 0 : i32
      %dma_start3A_21 = tpu.memref_slice %arg4[%arg1, %dma_start3A_18, %dma_start3A_19, %dma_start3A_20] : memref<16x80x1x128xi32, #tpu.memory_space<hbm>> -> memref<1x80x1x128xi32, #tpu.memory_space<hbm>>
      %dma_start3A_22 = tpu.memref_squeeze %dma_start3A_21 : memref<1x80x1x128xi32, #tpu.memory_space<hbm>> -> memref<80x1x128xi32, #tpu.memory_space<hbm>>
      tpu.enqueue_dma source(%dma_start3A_22 : memref<80x1x128xi32, #tpu.memory_space<hbm>>) target(%arg7 : memref<80x1x128xi32, #tpu.memory_space<vmem>>) target_semaphore(%run_scoped3A : memref<!tpu.dma_semaphore, #tpu.memory_space<semaphore_mem>>)
      %dma_wait3A = arith.constant 0 : i32
      %dma_wait3A_23 = arith.constant 0 : i32
      %dma_wait3A_24 = arith.constant 0 : i32
      %dma_wait3A_25 = tpu.memref_slice %arg4[%arg1, %dma_wait3A, %dma_wait3A_23, %dma_wait3A_24] : memref<16x80x1x128xi32, #tpu.memory_space<hbm>> -> memref<1x80x1x128xi32, #tpu.memory_space<hbm>>
      %dma_wait3A_26 = tpu.memref_squeeze %dma_wait3A_25 : memref<1x80x1x128xi32, #tpu.memory_space<hbm>> -> memref<80x1x128xi32, #tpu.memory_space<hbm>>
      %dma_wait3A_27 = arith.constant 0 : i32
      %dma_wait3A_28 = arith.constant 0 : i32
      %dma_wait3A_29 = arith.constant 0 : i32
      %dma_wait3A_30 = tpu.memref_slice %arg4[%arg1, %dma_wait3A_27, %dma_wait3A_28, %dma_wait3A_29] : memref<16x80x1x128xi32, #tpu.memory_space<hbm>> -> memref<1x80x1x128xi32, #tpu.memory_space<hbm>>
      %dma_wait3A_31 = tpu.memref_squeeze %dma_wait3A_30 : memref<1x80x1x128xi32, #tpu.memory_space<hbm>> -> memref<80x1x128xi32, #tpu.memory_space<hbm>>
      tpu.wait_dma2 semaphore(%run_scoped3A : memref<!tpu.dma_semaphore, #tpu.memory_space<semaphore_mem>>) src(%dma_wait3A_31 : memref<80x1x128xi32, #tpu.memory_space<hbm>>) dst(%arg7 : memref<80x1x128xi32, #tpu.memory_space<vmem>>)
      tpu.yield
    }) : () -> ()
    %mul3A_1 = arith.constant 640 : i32
    %mul3A_2 = arith.muli %arg1, %mul3A_1 : i32
    %mul3A_3 = arith.constant 640 : i32
    %mul3A_4 = arith.muli %arg1, %mul3A_3 : i32
    "tpu.region"() ({
      %run_scoped3A = tpu.sem_alloc : memref<!tpu.dma_semaphore, #tpu.memory_space<semaphore_mem>>
      %dma_start3A = arith.constant 0 : i32
      %dma_start3A_14 = tpu.memref_slice %arg9[%mul3A_4, %dma_start3A] : memref<10240x64xf32, #tpu.memory_space<vmem_shared>> -> memref<640x64xf32, #tpu.memory_space<vmem_shared>>
      %dma_start3A_15 = arith.constant 0 : i32
      %dma_start3A_16 = tpu.memref_slice %arg2[%arg0, %mul3A_2, %dma_start3A_15] : memref<2x10240x64xf32, #tpu.memory_space<hbm>> -> memref<1x640x64xf32, #tpu.memory_space<hbm>>
      %dma_start3A_17 = tpu.memref_squeeze %dma_start3A_16 : memref<1x640x64xf32, #tpu.memory_space<hbm>> -> memref<640x64xf32, #tpu.memory_space<hbm>>
      tpu.enqueue_dma source(%dma_start3A_17 : memref<640x64xf32, #tpu.memory_space<hbm>>) target(%dma_start3A_14 : memref<640x64xf32, #tpu.memory_space<vmem_shared>>) target_semaphore(%run_scoped3A : memref<!tpu.dma_semaphore, #tpu.memory_space<semaphore_mem>>)
      %dma_wait3A = arith.constant 0 : i32
      %dma_wait3A_18 = tpu.memref_slice %arg9[%mul3A_4, %dma_wait3A] : memref<10240x64xf32, #tpu.memory_space<vmem_shared>> -> memref<640x64xf32, #tpu.memory_space<vmem_shared>>
      %dma_wait3A_19 = arith.constant 0 : i32
      %dma_wait3A_20 = tpu.memref_slice %arg2[%arg0, %mul3A_2, %dma_wait3A_19] : memref<2x10240x64xf32, #tpu.memory_space<hbm>> -> memref<1x640x64xf32, #tpu.memory_space<hbm>>
      %dma_wait3A_21 = tpu.memref_squeeze %dma_wait3A_20 : memref<1x640x64xf32, #tpu.memory_space<hbm>> -> memref<640x64xf32, #tpu.memory_space<hbm>>
      tpu.wait_dma2 semaphore(%run_scoped3A : memref<!tpu.dma_semaphore, #tpu.memory_space<semaphore_mem>>) src(%dma_wait3A_21 : memref<640x64xf32, #tpu.memory_space<hbm>>) dst(%dma_wait3A_18 : memref<640x64xf32, #tpu.memory_space<vmem_shared>>)
      tpu.yield
    }) : () -> ()
    %barrier3A = arith.constant 0 : index
    tpu.barrier barrier_id(%barrier3A)
    %scan3A = arith.constant 0 : i32
    %scan3A_5 = arith.constant 80 : i32
    %scan3A_6 = arith.addi %scan3A, %scan3A_5 : i32
    %scan3A_7 = arith.constant 1 : i32
    scf.for %scan3A_14 = %scan3A to %scan3A_6 step %scan3A_7  : i32 {
      %mul3A_15 = arith.constant 1 : i32
      %mul3A_16 = arith.muli %scan3A_14, %mul3A_15 : i32
      %add3A = arith.constant 0 : i32
      %add3A_17 = arith.addi %add3A, %mul3A_16 : i32
      %mul3A_18 = arith.constant 128 : i32
      %mul3A_19 = arith.muli %add3A_17, %mul3A_18 : i32
      "tpu.region"() ({
        %run_scoped3A_20 = tpu.sem_alloc : memref<!tpu.dma_semaphore, #tpu.memory_space<semaphore_mem>>
        %dma_start3A = tpu.memref_slice %arg6[%mul3A_19] : memref<10240xi32, #tpu.memory_space<vmem>> -> memref<128xi32, #tpu.memory_space<vmem>>
        %dma_start3A_21 = arith.constant 0 : i32
        %dma_start3A_22 = arith.constant 0 : i32
        %dma_start3A_23 = tpu.memref_slice %arg2[%arg0, %dma_start3A_21, %dma_start3A_22] : memref<2x10240x64xf32, #tpu.memory_space<hbm>> -> memref<1x10240x64xf32, #tpu.memory_space<hbm>>
        %dma_start3A_24 = tpu.memref_squeeze %dma_start3A_23 : memref<1x10240x64xf32, #tpu.memory_space<hbm>> -> memref<10240x64xf32, #tpu.memory_space<hbm>>
        %dma_start3A_25 = arith.constant 0 : i32
        %dma_start3A_26 = arith.constant 0 : i32
        %dma_start3A_27 = tpu.memref_slice %dma_start3A_24[%dma_start3A_25, %dma_start3A_26] : memref<10240x64xf32, #tpu.memory_space<hbm>> -> memref<10240x64xf32, #tpu.memory_space<hbm>>
        tpu.enqueue_indirect_dma source(%dma_start3A_27 : memref<10240x64xf32, #tpu.memory_space<hbm>>) target(%arg8 : memref<128x64xf32, #tpu.memory_space<vmem>>) offsets(%dma_start3A : memref<128xi32, #tpu.memory_space<vmem>>) semaphore(%run_scoped3A_20 : memref<!tpu.dma_semaphore, #tpu.memory_space<semaphore_mem>>)
        %dma_wait3A = tpu.memref_slice %arg6[%mul3A_19] : memref<10240xi32, #tpu.memory_space<vmem>> -> memref<128xi32, #tpu.memory_space<vmem>>
        %dma_wait3A_28 = arith.constant 0 : i32
        %dma_wait3A_29 = arith.constant 0 : i32
        %dma_wait3A_30 = tpu.memref_slice %arg2[%arg0, %dma_wait3A_28, %dma_wait3A_29] : memref<2x10240x64xf32, #tpu.memory_space<hbm>> -> memref<1x10240x64xf32, #tpu.memory_space<hbm>>
        %dma_wait3A_31 = tpu.memref_squeeze %dma_wait3A_30 : memref<1x10240x64xf32, #tpu.memory_space<hbm>> -> memref<10240x64xf32, #tpu.memory_space<hbm>>
        %dma_wait3A_32 = arith.constant 0 : i32
        %dma_wait3A_33 = arith.constant 0 : i32
        %dma_wait3A_34 = tpu.memref_slice %dma_wait3A_31[%dma_wait3A_32, %dma_wait3A_33] : memref<10240x64xf32, #tpu.memory_space<hbm>> -> memref<10240x64xf32, #tpu.memory_space<hbm>>
        tpu.wait_indirect_dma semaphore(%run_scoped3A_20 : memref<!tpu.dma_semaphore, #tpu.memory_space<semaphore_mem>>) src(%dma_wait3A_34 : memref<10240x64xf32, #tpu.memory_space<hbm>>) dst(%arg8 : memref<128x64xf32, #tpu.memory_space<vmem>>)
        tpu.yield
      }) : () -> ()
      %run_scoped3A = arith.constant 0 : i32
      "tpu.region"() ({
        %run_scoped3A_20 = tpu.sem_alloc : memref<!tpu.dma_semaphore, #tpu.memory_space<semaphore_mem>>
        %dma_start3A = arith.constant 0 : i32
        %dma_start3A_21 = tpu.memref_slice %arg7[%add3A_17, %run_scoped3A, %dma_start3A] : memref<80x1x128xi32, #tpu.memory_space<vmem>> -> memref<1x1x128xi32, #tpu.memory_space<vmem>>
        %dma_start3A_22 = tpu.memref_squeeze %dma_start3A_21 : memref<1x1x128xi32, #tpu.memory_space<vmem>> -> memref<128xi32, #tpu.memory_space<vmem>>
        %dma_start3A_23 = arith.constant 0 : i32
        %dma_start3A_24 = arith.constant 0 : i32
        %dma_start3A_25 = tpu.memref_slice %arg9[%dma_start3A_23, %dma_start3A_24] : memref<10240x64xf32, #tpu.memory_space<vmem_shared>> -> memref<10240x64xf32, #tpu.memory_space<vmem_shared>>
        tpu.enqueue_indirect_dma source(%arg8 : memref<128x64xf32, #tpu.memory_space<vmem>>) target(%dma_start3A_25 : memref<10240x64xf32, #tpu.memory_space<vmem_shared>>) offsets(%dma_start3A_22 : memref<128xi32, #tpu.memory_space<vmem>>) semaphore(%run_scoped3A_20 : memref<!tpu.dma_semaphore, #tpu.memory_space<semaphore_mem>>) {add = true}
        %dma_wait3A = arith.constant 0 : i32
        %dma_wait3A_26 = tpu.memref_slice %arg7[%add3A_17, %run_scoped3A, %dma_wait3A] : memref<80x1x128xi32, #tpu.memory_space<vmem>> -> memref<1x1x128xi32, #tpu.memory_space<vmem>>
        %dma_wait3A_27 = tpu.memref_squeeze %dma_wait3A_26 : memref<1x1x128xi32, #tpu.memory_space<vmem>> -> memref<128xi32, #tpu.memory_space<vmem>>
        %dma_wait3A_28 = arith.constant 0 : i32
        %dma_wait3A_29 = arith.constant 0 : i32
        %dma_wait3A_30 = tpu.memref_slice %arg9[%dma_wait3A_28, %dma_wait3A_29] : memref<10240x64xf32, #tpu.memory_space<vmem_shared>> -> memref<10240x64xf32, #tpu.memory_space<vmem_shared>>
        tpu.wait_indirect_dma semaphore(%run_scoped3A_20 : memref<!tpu.dma_semaphore, #tpu.memory_space<semaphore_mem>>) src(%arg8 : memref<128x64xf32, #tpu.memory_space<vmem>>) dst(%dma_wait3A_30 : memref<10240x64xf32, #tpu.memory_space<vmem_shared>>)
        tpu.yield
      }) : () -> ()
    }
    %scan3A_8 = arith.constant 80 : i32
    %barrier3A_9 = arith.constant 0 : index
    tpu.barrier barrier_id(%barrier3A_9)
    %mul3A_10 = arith.constant 640 : i32
    %mul3A_11 = arith.muli %arg1, %mul3A_10 : i32
    %mul3A_12 = arith.constant 640 : i32
    %mul3A_13 = arith.muli %arg1, %mul3A_12 : i32
    "tpu.region"() ({
      %run_scoped3A = tpu.sem_alloc : memref<!tpu.dma_semaphore, #tpu.memory_space<semaphore_mem>>
      %dma_start3A = arith.constant 0 : i32
      %dma_start3A_14 = tpu.memref_slice %arg5[%arg0, %mul3A_13, %dma_start3A] : memref<2x10240x64xf32, #tpu.memory_space<hbm>> -> memref<1x640x64xf32, #tpu.memory_space<hbm>>
      %dma_start3A_15 = tpu.memref_squeeze %dma_start3A_14 : memref<1x640x64xf32, #tpu.memory_space<hbm>> -> memref<640x64xf32, #tpu.memory_space<hbm>>
      %dma_start3A_16 = arith.constant 0 : i32
      %dma_start3A_17 = tpu.memref_slice %arg9[%mul3A_11, %dma_start3A_16] : memref<10240x64xf32, #tpu.memory_space<vmem_shared>> -> memref<640x64xf32, #tpu.memory_space<vmem_shared>>
      tpu.enqueue_dma source(%dma_start3A_17 : memref<640x64xf32, #tpu.memory_space<vmem_shared>>) target(%dma_start3A_15 : memref<640x64xf32, #tpu.memory_space<hbm>>) target_semaphore(%run_scoped3A : memref<!tpu.dma_semaphore, #tpu.memory_space<semaphore_mem>>)
      %dma_wait3A = arith.constant 0 : i32
      %dma_wait3A_18 = tpu.memref_slice %arg5[%arg0, %mul3A_13, %dma_wait3A] : memref<2x10240x64xf32, #tpu.memory_space<hbm>> -> memref<1x640x64xf32, #tpu.memory_space<hbm>>
      %dma_wait3A_19 = tpu.memref_squeeze %dma_wait3A_18 : memref<1x640x64xf32, #tpu.memory_space<hbm>> -> memref<640x64xf32, #tpu.memory_space<hbm>>
      %dma_wait3A_20 = arith.constant 0 : i32
      %dma_wait3A_21 = tpu.memref_slice %arg9[%mul3A_11, %dma_wait3A_20] : memref<10240x64xf32, #tpu.memory_space<vmem_shared>> -> memref<640x64xf32, #tpu.memory_space<vmem_shared>>
      tpu.wait_dma2 semaphore(%run_scoped3A : memref<!tpu.dma_semaphore, #tpu.memory_space<semaphore_mem>>) src(%dma_wait3A_21 : memref<640x64xf32, #tpu.memory_space<vmem_shared>>) dst(%dma_wait3A_19 : memref<640x64xf32, #tpu.memory_space<hbm>>)
      tpu.yield
    }) : () -> ()
    return
  }
}

#map = affine_map<(d0, d1) -> (0, 0, 0)>
#map1 = affine_map<(d0, d1) -> (0)>
#map2 = affine_map<(d0, d1) -> (0, 0, 0, 0)>
module attributes {stable_mosaic.version = 14 : i64} {
  func.func @k(%arg0: i32, %arg1: i32, %arg2: memref<2x10240x64xf32, #tpu.memory_space<hbm>>, %arg3: memref<163840xi32, #tpu.memory_space<hbm>>, %arg4: memref<16x80x1x128xi32, #tpu.memory_space<hbm>>, %arg5: memref<2x10240x64xf32, #tpu.memory_space<hbm>>, %arg6: memref<10240xi32, #tpu.memory_space<vmem>>, %arg7: memref<80x1x128xi32, #tpu.memory_space<vmem>>, %arg8: memref<128x64xf32, #tpu.memory_space<vmem>>, %arg9: memref<10240x64xf32, #tpu.memory_space<vmem_shared>>) attributes {dimension_semantics = [#tpu.dimension_semantics<core_parallel>, #tpu.dimension_semantics<subcore_parallel>], iteration_bounds = array<i64: 2, 16>, scalar_prefetch = 0 : i64, scratch_operands = 4 : i64, tpu.core_type = #tpu.core_type<sc_vector_subcore>, window_params = [{transform_indices = #map}, {transform_indices = #map1}, {transform_indices = #map2}, {transform_indices = #map}]} {
    %mul3A = arith.constant 10240 : i32
    %mul3A_0 = arith.muli %arg1, %mul3A : i32
    "tpu.region"() ({
      %run_scoped3A = tpu.sem_alloc : memref<!tpu.dma_semaphore, #tpu.memory_space<semaphore_mem>>
      %dma_start3A = tpu.memref_slice %arg3[%mul3A_0] : memref<163840xi32, #tpu.memory_space<hbm>> -> memref<10240xi32, #tpu.memory_space<hbm>>
      %dma_start3A_14 = tpu.memref_slice %arg3[%mul3A_0] : memref<163840xi32, #tpu.memory_space<hbm>> -> memref<10240xi32, #tpu.memory_space<hbm>>
      tpu.enqueue_dma source(%dma_start3A_14 : memref<10240xi32, #tpu.memory_space<hbm>>) target(%arg6 : memref<10240xi32, #tpu.memory_space<vmem>>) target_semaphore(%run_scoped3A : memref<!tpu.dma_semaphore, #tpu.memory_space<semaphore_mem>>)
      %dma_wait3A = tpu.memref_slice %arg3[%mul3A_0] : memref<163840xi32, #tpu.memory_space<hbm>> -> memref<10240xi32, #tpu.memory_space<hbm>>
      %dma_wait3A_15 = tpu.memref_slice %arg3[%mul3A_0] : memref<163840xi32, #tpu.memory_space<hbm>> -> memref<10240xi32, #tpu.memory_space<hbm>>
      tpu.wait_dma2 semaphore(%run_scoped3A : memref<!tpu.dma_semaphore, #tpu.memory_space<semaphore_mem>>) src(%dma_wait3A_15 : memref<10240xi32, #tpu.memory_space<hbm>>) dst(%arg6 : memref<10240xi32, #tpu.memory_space<vmem>>)
      tpu.yield
    }) : () -> ()
    "tpu.region"() ({
      %run_scoped3A = tpu.sem_alloc : memref<!tpu.dma_semaphore, #tpu.memory_space<semaphore_mem>>
      %dma_start3A = arith.constant 0 : i32
      %dma_start3A_14 = arith.constant 0 : i32
      %dma_start3A_15 = arith.constant 0 : i32
      %dma_start3A_16 = tpu.memref_slice %arg4[%arg1, %dma_start3A, %dma_start3A_14, %dma_start3A_15] : memref<16x80x1x128xi32, #tpu.memory_space<hbm>> -> memref<1x80x1x128xi32, #tpu.memory_space<hbm>>
      %dma_start3A_17 = tpu.memref_squeeze %dma_start3A_16 : memref<1x80x1x128xi32, #tpu.memory_space<hbm>> -> memref<80x1x128xi32, #tpu.memory_space<hbm>>
      %dma_start3A_18 = arith.constant 0 : i32
      %dma_start3A_19 = arith.constant 0 : i32
      %dma_start3A_20 = arith.constant 0 : i32
      %dma_start3A_21 = tpu.memref_slice %arg4[%arg1, %dma_start3A_18, %dma_start3A_19, %dma_start3A_20] : memref<16x80x1x128xi32, #tpu.memory_space<hbm>> -> memref<1x80x1x128xi32, #tpu.memory_space<hbm>>
      %dma_start3A_22 = tpu.memref_squeeze %dma_start3A_21 : memref<1x80x1x128xi32, #tpu.memory_space<hbm>> -> memref<80x1x128xi32, #tpu.memory_space<hbm>>
      tpu.enqueue_dma source(%dma_start3A_22 : memref<80x1x128xi32, #tpu.memory_space<hbm>>) target(%arg7 : memref<80x1x128xi32, #tpu.memory_space<vmem>>) target_semaphore(%run_scoped3A : memref<!tpu.dma_semaphore, #tpu.memory_space<semaphore_mem>>)
      %dma_wait3A = arith.constant 0 : i32
      %dma_wait3A_23 = arith.constant 0 : i32
      %dma_wait3A_24 = arith.constant 0 : i32
      %dma_wait3A_25 = tpu.memref_slice %arg4[%arg1, %dma_wait3A, %dma_wait3A_23, %dma_wait3A_24] : memref<16x80x1x128xi32, #tpu.memory_space<hbm>> -> memref<1x80x1x128xi32, #tpu.memory_space<hbm>>
      %dma_wait3A_26 = tpu.memref_squeeze %dma_wait3A_25 : memref<1x80x1x128xi32, #tpu.memory_space<hbm>> -> memref<80x1x128xi32, #tpu.memory_space<hbm>>
      %dma_wait3A_27 = arith.constant 0 : i32
      %dma_wait3A_28 = arith.constant 0 : i32
      %dma_wait3A_29 = arith.constant 0 : i32
      %dma_wait3A_30 = tpu.memref_slice %arg4[%arg1, %dma_wait3A_27, %dma_wait3A_28, %dma_wait3A_29] : memref<16x80x1x128xi32, #tpu.memory_space<hbm>> -> memref<1x80x1x128xi32, #tpu.memory_space<hbm>>
      %dma_wait3A_31 = tpu.memref_squeeze %dma_wait3A_30 : memref<1x80x1x128xi32, #tpu.memory_space<hbm>> -> memref<80x1x128xi32, #tpu.memory_space<hbm>>
      tpu.wait_dma2 semaphore(%run_scoped3A : memref<!tpu.dma_semaphore, #tpu.memory_space<semaphore_mem>>) src(%dma_wait3A_31 : memref<80x1x128xi32, #tpu.memory_space<hbm>>) dst(%arg7 : memref<80x1x128xi32, #tpu.memory_space<vmem>>)
      tpu.yield
    }) : () -> ()
    %mul3A_1 = arith.constant 640 : i32
    %mul3A_2 = arith.muli %arg1, %mul3A_1 : i32
    %mul3A_3 = arith.constant 640 : i32
    %mul3A_4 = arith.muli %arg1, %mul3A_3 : i32
    "tpu.region"() ({
      %run_scoped3A = tpu.sem_alloc : memref<!tpu.dma_semaphore, #tpu.memory_space<semaphore_mem>>
      %dma_start3A = arith.constant 0 : i32
      %dma_start3A_14 = tpu.memref_slice %arg9[%mul3A_4, %dma_start3A] : memref<10240x64xf32, #tpu.memory_space<vmem_shared>> -> memref<640x64xf32, #tpu.memory_space<vmem_shared>>
      %dma_start3A_15 = arith.constant 0 : i32
      %dma_start3A_16 = tpu.memref_slice %arg2[%arg0, %mul3A_2, %dma_start3A_15] : memref<2x10240x64xf32, #tpu.memory_space<hbm>> -> memref<1x640x64xf32, #tpu.memory_space<hbm>>
      %dma_start3A_17 = tpu.memref_squeeze %dma_start3A_16 : memref<1x640x64xf32, #tpu.memory_space<hbm>> -> memref<640x64xf32, #tpu.memory_space<hbm>>
      tpu.enqueue_dma source(%dma_start3A_17 : memref<640x64xf32, #tpu.memory_space<hbm>>) target(%dma_start3A_14 : memref<640x64xf32, #tpu.memory_space<vmem_shared>>) target_semaphore(%run_scoped3A : memref<!tpu.dma_semaphore, #tpu.memory_space<semaphore_mem>>)
      %dma_wait3A = arith.constant 0 : i32
      %dma_wait3A_18 = tpu.memref_slice %arg9[%mul3A_4, %dma_wait3A] : memref<10240x64xf32, #tpu.memory_space<vmem_shared>> -> memref<640x64xf32, #tpu.memory_space<vmem_shared>>
      %dma_wait3A_19 = arith.constant 0 : i32
      %dma_wait3A_20 = tpu.memref_slice %arg2[%arg0, %mul3A_2, %dma_wait3A_19] : memref<2x10240x64xf32, #tpu.memory_space<hbm>> -> memref<1x640x64xf32, #tpu.memory_space<hbm>>
      %dma_wait3A_21 = tpu.memref_squeeze %dma_wait3A_20 : memref<1x640x64xf32, #tpu.memory_space<hbm>> -> memref<640x64xf32, #tpu.memory_space<hbm>>
      tpu.wait_dma2 semaphore(%run_scoped3A : memref<!tpu.dma_semaphore, #tpu.memory_space<semaphore_mem>>) src(%dma_wait3A_21 : memref<640x64xf32, #tpu.memory_space<hbm>>) dst(%dma_wait3A_18 : memref<640x64xf32, #tpu.memory_space<vmem_shared>>)
      tpu.yield
    }) : () -> ()
    %barrier3A = arith.constant 0 : index
    tpu.barrier barrier_id(%barrier3A)
    %scan3A = arith.constant 0 : i32
    %scan3A_5 = arith.constant 80 : i32
    %scan3A_6 = arith.addi %scan3A, %scan3A_5 : i32
    %scan3A_7 = arith.constant 1 : i32
    scf.for %scan3A_14 = %scan3A to %scan3A_6 step %scan3A_7  : i32 {
      %mul3A_15 = arith.constant 1 : i32
      %mul3A_16 = arith.muli %scan3A_14, %mul3A_15 : i32
      %add3A = arith.constant 0 : i32
      %add3A_17 = arith.addi %add3A, %mul3A_16 : i32
      %mul3A_18 = arith.constant 128 : i32
      %mul3A_19 = arith.muli %add3A_17, %mul3A_18 : i32
      "tpu.region"() ({
        %run_scoped3A_20 = tpu.sem_alloc : memref<!tpu.dma_semaphore, #tpu.memory_space<semaphore_mem>>
        %dma_start3A = tpu.memref_slice %arg6[%mul3A_19] : memref<10240xi32, #tpu.memory_space<vmem>> -> memref<128xi32, #tpu.memory_space<vmem>>
        %dma_start3A_21 = arith.constant 0 : i32
        %dma_start3A_22 = arith.constant 0 : i32
        %dma_start3A_23 = tpu.memref_slice %arg2[%arg0, %dma_start3A_21, %dma_start3A_22] : memref<2x10240x64xf32, #tpu.memory_space<hbm>> -> memref<1x10240x64xf32, #tpu.memory_space<hbm>>
        %dma_start3A_24 = tpu.memref_squeeze %dma_start3A_23 : memref<1x10240x64xf32, #tpu.memory_space<hbm>> -> memref<10240x64xf32, #tpu.memory_space<hbm>>
        %dma_start3A_25 = arith.constant 0 : i32
        %dma_start3A_26 = arith.constant 0 : i32
        %dma_start3A_27 = tpu.memref_slice %dma_start3A_24[%dma_start3A_25, %dma_start3A_26] : memref<10240x64xf32, #tpu.memory_space<hbm>> -> memref<10240x64xf32, #tpu.memory_space<hbm>>
        tpu.enqueue_indirect_dma source(%dma_start3A_27 : memref<10240x64xf32, #tpu.memory_space<hbm>>) target(%arg8 : memref<128x64xf32, #tpu.memory_space<vmem>>) offsets(%dma_start3A : memref<128xi32, #tpu.memory_space<vmem>>) semaphore(%run_scoped3A_20 : memref<!tpu.dma_semaphore, #tpu.memory_space<semaphore_mem>>)
        %dma_wait3A = tpu.memref_slice %arg6[%mul3A_19] : memref<10240xi32, #tpu.memory_space<vmem>> -> memref<128xi32, #tpu.memory_space<vmem>>
        %dma_wait3A_28 = arith.constant 0 : i32
        %dma_wait3A_29 = arith.constant 0 : i32
        %dma_wait3A_30 = tpu.memref_slice %arg2[%arg0, %dma_wait3A_28, %dma_wait3A_29] : memref<2x10240x64xf32, #tpu.memory_space<hbm>> -> memref<1x10240x64xf32, #tpu.memory_space<hbm>>
        %dma_wait3A_31 = tpu.memref_squeeze %dma_wait3A_30 : memref<1x10240x64xf32, #tpu.memory_space<hbm>> -> memref<10240x64xf32, #tpu.memory_space<hbm>>
        %dma_wait3A_32 = arith.constant 0 : i32
        %dma_wait3A_33 = arith.constant 0 : i32
        %dma_wait3A_34 = tpu.memref_slice %dma_wait3A_31[%dma_wait3A_32, %dma_wait3A_33] : memref<10240x64xf32, #tpu.memory_space<hbm>> -> memref<10240x64xf32, #tpu.memory_space<hbm>>
        tpu.wait_indirect_dma semaphore(%run_scoped3A_20 : memref<!tpu.dma_semaphore, #tpu.memory_space<semaphore_mem>>) src(%dma_wait3A_34 : memref<10240x64xf32, #tpu.memory_space<hbm>>) dst(%arg8 : memref<128x64xf32, #tpu.memory_space<vmem>>)
        tpu.yield
      }) : () -> ()
      %run_scoped3A = arith.constant 0 : i32
      "tpu.region"() ({
        %run_scoped3A_20 = tpu.sem_alloc : memref<!tpu.dma_semaphore, #tpu.memory_space<semaphore_mem>>
        %dma_start3A = arith.constant 0 : i32
        %dma_start3A_21 = tpu.memref_slice %arg7[%add3A_17, %run_scoped3A, %dma_start3A] : memref<80x1x128xi32, #tpu.memory_space<vmem>> -> memref<1x1x128xi32, #tpu.memory_space<vmem>>
        %dma_start3A_22 = tpu.memref_squeeze %dma_start3A_21 : memref<1x1x128xi32, #tpu.memory_space<vmem>> -> memref<128xi32, #tpu.memory_space<vmem>>
        %dma_start3A_23 = arith.constant 0 : i32
        %dma_start3A_24 = arith.constant 0 : i32
        %dma_start3A_25 = tpu.memref_slice %arg9[%dma_start3A_23, %dma_start3A_24] : memref<10240x64xf32, #tpu.memory_space<vmem_shared>> -> memref<10240x64xf32, #tpu.memory_space<vmem_shared>>
        tpu.enqueue_indirect_dma source(%arg8 : memref<128x64xf32, #tpu.memory_space<vmem>>) target(%dma_start3A_25 : memref<10240x64xf32, #tpu.memory_space<vmem_shared>>) offsets(%dma_start3A_22 : memref<128xi32, #tpu.memory_space<vmem>>) semaphore(%run_scoped3A_20 : memref<!tpu.dma_semaphore, #tpu.memory_space<semaphore_mem>>) {add = true}
        %dma_wait3A = arith.constant 0 : i32
        %dma_wait3A_26 = tpu.memref_slice %arg7[%add3A_17, %run_scoped3A, %dma_wait3A] : memref<80x1x128xi32, #tpu.memory_space<vmem>> -> memref<1x1x128xi32, #tpu.memory_space<vmem>>
        %dma_wait3A_27 = tpu.memref_squeeze %dma_wait3A_26 : memref<1x1x128xi32, #tpu.memory_space<vmem>> -> memref<128xi32, #tpu.memory_space<vmem>>
        %dma_wait3A_28 = arith.constant 0 : i32
        %dma_wait3A_29 = arith.constant 0 : i32
        %dma_wait3A_30 = tpu.memref_slice %arg9[%dma_wait3A_28, %dma_wait3A_29] : memref<10240x64xf32, #tpu.memory_space<vmem_shared>> -> memref<10240x64xf32, #tpu.memory_space<vmem_shared>>
        tpu.wait_indirect_dma semaphore(%run_scoped3A_20 : memref<!tpu.dma_semaphore, #tpu.memory_space<semaphore_mem>>) src(%arg8 : memref<128x64xf32, #tpu.memory_space<vmem>>) dst(%dma_wait3A_30 : memref<10240x64xf32, #tpu.memory_space<vmem_shared>>)
        tpu.yield
      }) : () -> ()
    }
    %scan3A_8 = arith.constant 80 : i32
    %barrier3A_9 = arith.constant 0 : index
    tpu.barrier barrier_id(%barrier3A_9)
    %mul3A_10 = arith.constant 640 : i32
    %mul3A_11 = arith.muli %arg1, %mul3A_10 : i32
    %mul3A_12 = arith.constant 640 : i32
    %mul3A_13 = arith.muli %arg1, %mul3A_12 : i32
    "tpu.region"() ({
      %run_scoped3A = tpu.sem_alloc : memref<!tpu.dma_semaphore, #tpu.memory_space<semaphore_mem>>
      %dma_start3A = arith.constant 0 : i32
      %dma_start3A_14 = tpu.memref_slice %arg5[%arg0, %mul3A_13, %dma_start3A] : memref<2x10240x64xf32, #tpu.memory_space<hbm>> -> memref<1x640x64xf32, #tpu.memory_space<hbm>>
      %dma_start3A_15 = tpu.memref_squeeze %dma_start3A_14 : memref<1x640x64xf32, #tpu.memory_space<hbm>> -> memref<640x64xf32, #tpu.memory_space<hbm>>
      %dma_start3A_16 = arith.constant 0 : i32
      %dma_start3A_17 = tpu.memref_slice %arg9[%mul3A_11, %dma_start3A_16] : memref<10240x64xf32, #tpu.memory_space<vmem_shared>> -> memref<640x64xf32, #tpu.memory_space<vmem_shared>>
      tpu.enqueue_dma source(%dma_start3A_17 : memref<640x64xf32, #tpu.memory_space<vmem_shared>>) target(%dma_start3A_15 : memref<640x64xf32, #tpu.memory_space<hbm>>) target_semaphore(%run_scoped3A : memref<!tpu.dma_semaphore, #tpu.memory_space<semaphore_mem>>)
      %dma_wait3A = arith.constant 0 : i32
      %dma_wait3A_18 = tpu.memref_slice %arg5[%arg0, %mul3A_13, %dma_wait3A] : memref<2x10240x64xf32, #tpu.memory_space<hbm>> -> memref<1x640x64xf32, #tpu.memory_space<hbm>>
      %dma_wait3A_19 = tpu.memref_squeeze %dma_wait3A_18 : memref<1x640x64xf32, #tpu.memory_space<hbm>> -> memref<640x64xf32, #tpu.memory_space<hbm>>
      %dma_wait3A_20 = arith.constant 0 : i32
      %dma_wait3A_21 = tpu.memref_slice %arg9[%mul3A_11, %dma_wait3A_20] : memref<10240x64xf32, #tpu.memory_space<vmem_shared>> -> memref<640x64xf32, #tpu.memory_space<vmem_shared>>
      tpu.wait_dma2 semaphore(%run_scoped3A : memref<!tpu.dma_semaphore, #tpu.memory_space<semaphore_mem>>) src(%dma_wait3A_21 : memref<640x64xf32, #tpu.memory_space<vmem_shared>>) dst(%dma_wait3A_19 : memref<640x64xf32, #tpu.memory_space<hbm>>)
      tpu.yield
    }) : () -> ()
    return
  }
}

#map = affine_map<(d0, d1) -> (0, 0)>
#map1 = affine_map<(d0, d1) -> (0)>
#map2 = affine_map<(d0, d1) -> (0, 0, 0, 0)>
#map3 = affine_map<(d0, d1) -> (0, 0, 0)>
module attributes {stable_mosaic.version = 14 : i64} {
  func.func @k(%arg0: i32, %arg1: i32, %arg2: memref<10240x16xf32, #tpu.memory_space<hbm>>, %arg3: memref<163840xi32, #tpu.memory_space<hbm>>, %arg4: memref<32x40x1x128xi32, #tpu.memory_space<hbm>>, %arg5: memref<2x10240x16xf32, #tpu.memory_space<hbm>>, %arg6: memref<5120xi32, #tpu.memory_space<vmem>>, %arg7: memref<40x1x128xi32, #tpu.memory_space<vmem>>, %arg8: memref<128x16xf32, #tpu.memory_space<vmem>>, %arg9: memref<10240x16xf32, #tpu.memory_space<vmem_shared>>) attributes {dimension_semantics = [#tpu.dimension_semantics<core_parallel>, #tpu.dimension_semantics<subcore_parallel>], iteration_bounds = array<i64: 2, 16>, scalar_prefetch = 0 : i64, scratch_operands = 4 : i64, tpu.core_type = #tpu.core_type<sc_vector_subcore>, window_params = [{transform_indices = #map}, {transform_indices = #map1}, {transform_indices = #map2}, {transform_indices = #map3}]} {
    %mul3A = arith.constant 16 : i32
    %mul3A_0 = arith.muli %arg0, %mul3A : i32
    %add3A = arith.addi %mul3A_0, %arg1 : i32
    %mul3A_1 = arith.constant 5120 : i32
    %mul3A_2 = arith.muli %add3A, %mul3A_1 : i32
    "tpu.region"() ({
      %run_scoped3A = tpu.sem_alloc : memref<!tpu.dma_semaphore, #tpu.memory_space<semaphore_mem>>
      %dma_start3A = tpu.memref_slice %arg3[%mul3A_2] : memref<163840xi32, #tpu.memory_space<hbm>> -> memref<5120xi32, #tpu.memory_space<hbm>>
      %dma_start3A_16 = tpu.memref_slice %arg3[%mul3A_2] : memref<163840xi32, #tpu.memory_space<hbm>> -> memref<5120xi32, #tpu.memory_space<hbm>>
      tpu.enqueue_dma source(%dma_start3A_16 : memref<5120xi32, #tpu.memory_space<hbm>>) target(%arg6 : memref<5120xi32, #tpu.memory_space<vmem>>) target_semaphore(%run_scoped3A : memref<!tpu.dma_semaphore, #tpu.memory_space<semaphore_mem>>)
      %dma_wait3A = tpu.memref_slice %arg3[%mul3A_2] : memref<163840xi32, #tpu.memory_space<hbm>> -> memref<5120xi32, #tpu.memory_space<hbm>>
      %dma_wait3A_17 = tpu.memref_slice %arg3[%mul3A_2] : memref<163840xi32, #tpu.memory_space<hbm>> -> memref<5120xi32, #tpu.memory_space<hbm>>
      tpu.wait_dma2 semaphore(%run_scoped3A : memref<!tpu.dma_semaphore, #tpu.memory_space<semaphore_mem>>) src(%dma_wait3A_17 : memref<5120xi32, #tpu.memory_space<hbm>>) dst(%arg6 : memref<5120xi32, #tpu.memory_space<vmem>>)
      tpu.yield
    }) : () -> ()
    "tpu.region"() ({
      %run_scoped3A = tpu.sem_alloc : memref<!tpu.dma_semaphore, #tpu.memory_space<semaphore_mem>>
      %dma_start3A = arith.constant 0 : i32
      %dma_start3A_16 = arith.constant 0 : i32
      %dma_start3A_17 = arith.constant 0 : i32
      %dma_start3A_18 = tpu.memref_slice %arg4[%add3A, %dma_start3A, %dma_start3A_16, %dma_start3A_17] : memref<32x40x1x128xi32, #tpu.memory_space<hbm>> -> memref<1x40x1x128xi32, #tpu.memory_space<hbm>>
      %dma_start3A_19 = tpu.memref_squeeze %dma_start3A_18 : memref<1x40x1x128xi32, #tpu.memory_space<hbm>> -> memref<40x1x128xi32, #tpu.memory_space<hbm>>
      %dma_start3A_20 = arith.constant 0 : i32
      %dma_start3A_21 = arith.constant 0 : i32
      %dma_start3A_22 = arith.constant 0 : i32
      %dma_start3A_23 = tpu.memref_slice %arg4[%add3A, %dma_start3A_20, %dma_start3A_21, %dma_start3A_22] : memref<32x40x1x128xi32, #tpu.memory_space<hbm>> -> memref<1x40x1x128xi32, #tpu.memory_space<hbm>>
      %dma_start3A_24 = tpu.memref_squeeze %dma_start3A_23 : memref<1x40x1x128xi32, #tpu.memory_space<hbm>> -> memref<40x1x128xi32, #tpu.memory_space<hbm>>
      tpu.enqueue_dma source(%dma_start3A_24 : memref<40x1x128xi32, #tpu.memory_space<hbm>>) target(%arg7 : memref<40x1x128xi32, #tpu.memory_space<vmem>>) target_semaphore(%run_scoped3A : memref<!tpu.dma_semaphore, #tpu.memory_space<semaphore_mem>>)
      %dma_wait3A = arith.constant 0 : i32
      %dma_wait3A_25 = arith.constant 0 : i32
      %dma_wait3A_26 = arith.constant 0 : i32
      %dma_wait3A_27 = tpu.memref_slice %arg4[%add3A, %dma_wait3A, %dma_wait3A_25, %dma_wait3A_26] : memref<32x40x1x128xi32, #tpu.memory_space<hbm>> -> memref<1x40x1x128xi32, #tpu.memory_space<hbm>>
      %dma_wait3A_28 = tpu.memref_squeeze %dma_wait3A_27 : memref<1x40x1x128xi32, #tpu.memory_space<hbm>> -> memref<40x1x128xi32, #tpu.memory_space<hbm>>
      %dma_wait3A_29 = arith.constant 0 : i32
      %dma_wait3A_30 = arith.constant 0 : i32
      %dma_wait3A_31 = arith.constant 0 : i32
      %dma_wait3A_32 = tpu.memref_slice %arg4[%add3A, %dma_wait3A_29, %dma_wait3A_30, %dma_wait3A_31] : memref<32x40x1x128xi32, #tpu.memory_space<hbm>> -> memref<1x40x1x128xi32, #tpu.memory_space<hbm>>
      %dma_wait3A_33 = tpu.memref_squeeze %dma_wait3A_32 : memref<1x40x1x128xi32, #tpu.memory_space<hbm>> -> memref<40x1x128xi32, #tpu.memory_space<hbm>>
      tpu.wait_dma2 semaphore(%run_scoped3A : memref<!tpu.dma_semaphore, #tpu.memory_space<semaphore_mem>>) src(%dma_wait3A_33 : memref<40x1x128xi32, #tpu.memory_space<hbm>>) dst(%arg7 : memref<40x1x128xi32, #tpu.memory_space<vmem>>)
      tpu.yield
    }) : () -> ()
    %mul3A_3 = arith.constant 640 : i32
    %mul3A_4 = arith.muli %arg1, %mul3A_3 : i32
    %mul3A_5 = arith.constant 640 : i32
    %mul3A_6 = arith.muli %arg1, %mul3A_5 : i32
    "tpu.region"() ({
      %run_scoped3A = tpu.sem_alloc : memref<!tpu.dma_semaphore, #tpu.memory_space<semaphore_mem>>
      %dma_start3A = arith.constant 0 : i32
      %dma_start3A_16 = tpu.memref_slice %arg9[%mul3A_6, %dma_start3A] : memref<10240x16xf32, #tpu.memory_space<vmem_shared>> -> memref<640x16xf32, #tpu.memory_space<vmem_shared>>
      %dma_start3A_17 = arith.constant 0 : i32
      %dma_start3A_18 = tpu.memref_slice %arg2[%mul3A_4, %dma_start3A_17] : memref<10240x16xf32, #tpu.memory_space<hbm>> -> memref<640x16xf32, #tpu.memory_space<hbm>>
      tpu.enqueue_dma source(%dma_start3A_18 : memref<640x16xf32, #tpu.memory_space<hbm>>) target(%dma_start3A_16 : memref<640x16xf32, #tpu.memory_space<vmem_shared>>) target_semaphore(%run_scoped3A : memref<!tpu.dma_semaphore, #tpu.memory_space<semaphore_mem>>)
      %dma_wait3A = arith.constant 0 : i32
      %dma_wait3A_19 = tpu.memref_slice %arg9[%mul3A_6, %dma_wait3A] : memref<10240x16xf32, #tpu.memory_space<vmem_shared>> -> memref<640x16xf32, #tpu.memory_space<vmem_shared>>
      %dma_wait3A_20 = arith.constant 0 : i32
      %dma_wait3A_21 = tpu.memref_slice %arg2[%mul3A_4, %dma_wait3A_20] : memref<10240x16xf32, #tpu.memory_space<hbm>> -> memref<640x16xf32, #tpu.memory_space<hbm>>
      tpu.wait_dma2 semaphore(%run_scoped3A : memref<!tpu.dma_semaphore, #tpu.memory_space<semaphore_mem>>) src(%dma_wait3A_21 : memref<640x16xf32, #tpu.memory_space<hbm>>) dst(%dma_wait3A_19 : memref<640x16xf32, #tpu.memory_space<vmem_shared>>)
      tpu.yield
    }) : () -> ()
    %barrier3A = arith.constant 0 : index
    tpu.barrier barrier_id(%barrier3A)
    %scan3A = arith.constant 0 : i32
    %scan3A_7 = arith.constant 40 : i32
    %scan3A_8 = arith.addi %scan3A, %scan3A_7 : i32
    %scan3A_9 = arith.constant 1 : i32
    scf.for %scan3A_16 = %scan3A to %scan3A_8 step %scan3A_9  : i32 {
      %mul3A_17 = arith.constant 1 : i32
      %mul3A_18 = arith.muli %scan3A_16, %mul3A_17 : i32
      %add3A_19 = arith.constant 0 : i32
      %add3A_20 = arith.addi %add3A_19, %mul3A_18 : i32
      %mul3A_21 = arith.constant 128 : i32
      %mul3A_22 = arith.muli %add3A_20, %mul3A_21 : i32
      "tpu.region"() ({
        %run_scoped3A_23 = tpu.sem_alloc : memref<!tpu.dma_semaphore, #tpu.memory_space<semaphore_mem>>
        %dma_start3A = tpu.memref_slice %arg6[%mul3A_22] : memref<5120xi32, #tpu.memory_space<vmem>> -> memref<128xi32, #tpu.memory_space<vmem>>
        %dma_start3A_24 = arith.constant 0 : i32
        %dma_start3A_25 = arith.constant 0 : i32
        %dma_start3A_26 = tpu.memref_slice %arg2[%dma_start3A_24, %dma_start3A_25] : memref<10240x16xf32, #tpu.memory_space<hbm>> -> memref<10240x16xf32, #tpu.memory_space<hbm>>
        tpu.enqueue_indirect_dma source(%dma_start3A_26 : memref<10240x16xf32, #tpu.memory_space<hbm>>) target(%arg8 : memref<128x16xf32, #tpu.memory_space<vmem>>) offsets(%dma_start3A : memref<128xi32, #tpu.memory_space<vmem>>) semaphore(%run_scoped3A_23 : memref<!tpu.dma_semaphore, #tpu.memory_space<semaphore_mem>>)
        %dma_wait3A = tpu.memref_slice %arg6[%mul3A_22] : memref<5120xi32, #tpu.memory_space<vmem>> -> memref<128xi32, #tpu.memory_space<vmem>>
        %dma_wait3A_27 = arith.constant 0 : i32
        %dma_wait3A_28 = arith.constant 0 : i32
        %dma_wait3A_29 = tpu.memref_slice %arg2[%dma_wait3A_27, %dma_wait3A_28] : memref<10240x16xf32, #tpu.memory_space<hbm>> -> memref<10240x16xf32, #tpu.memory_space<hbm>>
        tpu.wait_indirect_dma semaphore(%run_scoped3A_23 : memref<!tpu.dma_semaphore, #tpu.memory_space<semaphore_mem>>) src(%dma_wait3A_29 : memref<10240x16xf32, #tpu.memory_space<hbm>>) dst(%arg8 : memref<128x16xf32, #tpu.memory_space<vmem>>)
        tpu.yield
      }) : () -> ()
      %run_scoped3A = arith.constant 0 : i32
      "tpu.region"() ({
        %run_scoped3A_23 = tpu.sem_alloc : memref<!tpu.dma_semaphore, #tpu.memory_space<semaphore_mem>>
        %dma_start3A = arith.constant 0 : i32
        %dma_start3A_24 = tpu.memref_slice %arg7[%add3A_20, %run_scoped3A, %dma_start3A] : memref<40x1x128xi32, #tpu.memory_space<vmem>> -> memref<1x1x128xi32, #tpu.memory_space<vmem>>
        %dma_start3A_25 = tpu.memref_squeeze %dma_start3A_24 : memref<1x1x128xi32, #tpu.memory_space<vmem>> -> memref<128xi32, #tpu.memory_space<vmem>>
        %dma_start3A_26 = arith.constant 0 : i32
        %dma_start3A_27 = arith.constant 0 : i32
        %dma_start3A_28 = tpu.memref_slice %arg9[%dma_start3A_26, %dma_start3A_27] : memref<10240x16xf32, #tpu.memory_space<vmem_shared>> -> memref<10240x16xf32, #tpu.memory_space<vmem_shared>>
        tpu.enqueue_indirect_dma source(%arg8 : memref<128x16xf32, #tpu.memory_space<vmem>>) target(%dma_start3A_28 : memref<10240x16xf32, #tpu.memory_space<vmem_shared>>) offsets(%dma_start3A_25 : memref<128xi32, #tpu.memory_space<vmem>>) semaphore(%run_scoped3A_23 : memref<!tpu.dma_semaphore, #tpu.memory_space<semaphore_mem>>) {add = true}
        %dma_wait3A = arith.constant 0 : i32
        %dma_wait3A_29 = tpu.memref_slice %arg7[%add3A_20, %run_scoped3A, %dma_wait3A] : memref<40x1x128xi32, #tpu.memory_space<vmem>> -> memref<1x1x128xi32, #tpu.memory_space<vmem>>
        %dma_wait3A_30 = tpu.memref_squeeze %dma_wait3A_29 : memref<1x1x128xi32, #tpu.memory_space<vmem>> -> memref<128xi32, #tpu.memory_space<vmem>>
        %dma_wait3A_31 = arith.constant 0 : i32
        %dma_wait3A_32 = arith.constant 0 : i32
        %dma_wait3A_33 = tpu.memref_slice %arg9[%dma_wait3A_31, %dma_wait3A_32] : memref<10240x16xf32, #tpu.memory_space<vmem_shared>> -> memref<10240x16xf32, #tpu.memory_space<vmem_shared>>
        tpu.wait_indirect_dma semaphore(%run_scoped3A_23 : memref<!tpu.dma_semaphore, #tpu.memory_space<semaphore_mem>>) src(%arg8 : memref<128x16xf32, #tpu.memory_space<vmem>>) dst(%dma_wait3A_33 : memref<10240x16xf32, #tpu.memory_space<vmem_shared>>)
        tpu.yield
      }) : () -> ()
    }
    %scan3A_10 = arith.constant 40 : i32
    %barrier3A_11 = arith.constant 0 : index
    tpu.barrier barrier_id(%barrier3A_11)
    %mul3A_12 = arith.constant 640 : i32
    %mul3A_13 = arith.muli %arg1, %mul3A_12 : i32
    %mul3A_14 = arith.constant 640 : i32
    %mul3A_15 = arith.muli %arg1, %mul3A_14 : i32
    "tpu.region"() ({
      %run_scoped3A = tpu.sem_alloc : memref<!tpu.dma_semaphore, #tpu.memory_space<semaphore_mem>>
      %dma_start3A = arith.constant 0 : i32
      %dma_start3A_16 = tpu.memref_slice %arg5[%arg0, %mul3A_15, %dma_start3A] : memref<2x10240x16xf32, #tpu.memory_space<hbm>> -> memref<1x640x16xf32, #tpu.memory_space<hbm>>
      %dma_start3A_17 = tpu.memref_squeeze %dma_start3A_16 : memref<1x640x16xf32, #tpu.memory_space<hbm>> -> memref<640x16xf32, #tpu.memory_space<hbm>>
      %dma_start3A_18 = arith.constant 0 : i32
      %dma_start3A_19 = tpu.memref_slice %arg9[%mul3A_13, %dma_start3A_18] : memref<10240x16xf32, #tpu.memory_space<vmem_shared>> -> memref<640x16xf32, #tpu.memory_space<vmem_shared>>
      tpu.enqueue_dma source(%dma_start3A_19 : memref<640x16xf32, #tpu.memory_space<vmem_shared>>) target(%dma_start3A_17 : memref<640x16xf32, #tpu.memory_space<hbm>>) target_semaphore(%run_scoped3A : memref<!tpu.dma_semaphore, #tpu.memory_space<semaphore_mem>>)
      %dma_wait3A = arith.constant 0 : i32
      %dma_wait3A_20 = tpu.memref_slice %arg5[%arg0, %mul3A_15, %dma_wait3A] : memref<2x10240x16xf32, #tpu.memory_space<hbm>> -> memref<1x640x16xf32, #tpu.memory_space<hbm>>
      %dma_wait3A_21 = tpu.memref_squeeze %dma_wait3A_20 : memref<1x640x16xf32, #tpu.memory_space<hbm>> -> memref<640x16xf32, #tpu.memory_space<hbm>>
      %dma_wait3A_22 = arith.constant 0 : i32
      %dma_wait3A_23 = tpu.memref_slice %arg9[%mul3A_13, %dma_wait3A_22] : memref<10240x16xf32, #tpu.memory_space<vmem_shared>> -> memref<640x16xf32, #tpu.memory_space<vmem_shared>>
      tpu.wait_dma2 semaphore(%run_scoped3A : memref<!tpu.dma_semaphore, #tpu.memory_space<semaphore_mem>>) src(%dma_wait3A_23 : memref<640x16xf32, #tpu.memory_space<vmem_shared>>) dst(%dma_wait3A_21 : memref<640x16xf32, #tpu.memory_space<hbm>>)
      tpu.yield
    }) : () -> ()
    return
  }
}

#map = affine_map<(d0, d1) -> (0)>
module attributes {stable_mosaic.version = 14 : i64} {
  func.func @k(%arg0: i32, %arg1: i32, %arg2: memref<10240xf32, #tpu.memory_space<hbm>>, %arg3: memref<10240xf32, #tpu.memory_space<hbm>>, %arg4: memref<163840xi32, #tpu.memory_space<hbm>>, %arg5: memref<163840xi32, #tpu.memory_space<hbm>>, %arg6: memref<163840xf32, #tpu.memory_space<hbm>>, %arg7: memref<10240xf32, #tpu.memory_space<vmem>>, %arg8: memref<10240xf32, #tpu.memory_space<vmem>>, %arg9: memref<5120xi32, #tpu.memory_space<vmem>>, %arg10: memref<5120xi32, #tpu.memory_space<vmem>>, %arg11: memref<5120xf32, #tpu.memory_space<vmem>>) attributes {dimension_semantics = [#tpu.dimension_semantics<core_parallel>, #tpu.dimension_semantics<subcore_parallel>], iteration_bounds = array<i64: 2, 16>, scalar_prefetch = 0 : i64, scratch_operands = 5 : i64, tpu.core_type = #tpu.core_type<sc_vector_subcore>, window_params = [{transform_indices = #map}, {transform_indices = #map}, {transform_indices = #map}, {transform_indices = #map}, {transform_indices = #map}]} {
    %mul3A = arith.constant 16 : i32
    %mul3A_0 = arith.muli %arg0, %mul3A : i32
    %add3A = arith.addi %mul3A_0, %arg1 : i32
    %mul3A_1 = arith.constant 5120 : i32
    %mul3A_2 = arith.muli %add3A, %mul3A_1 : i32
    "tpu.region"() ({
      %run_scoped3A = tpu.sem_alloc : memref<!tpu.dma_semaphore, #tpu.memory_space<semaphore_mem>>
      tpu.enqueue_dma source(%arg2 : memref<10240xf32, #tpu.memory_space<hbm>>) target(%arg7 : memref<10240xf32, #tpu.memory_space<vmem>>) target_semaphore(%run_scoped3A : memref<!tpu.dma_semaphore, #tpu.memory_space<semaphore_mem>>)
      tpu.wait_dma2 semaphore(%run_scoped3A : memref<!tpu.dma_semaphore, #tpu.memory_space<semaphore_mem>>) src(%arg2 : memref<10240xf32, #tpu.memory_space<hbm>>) dst(%arg7 : memref<10240xf32, #tpu.memory_space<vmem>>)
      tpu.yield
    }) : () -> ()
    "tpu.region"() ({
      %run_scoped3A = tpu.sem_alloc : memref<!tpu.dma_semaphore, #tpu.memory_space<semaphore_mem>>
      tpu.enqueue_dma source(%arg3 : memref<10240xf32, #tpu.memory_space<hbm>>) target(%arg8 : memref<10240xf32, #tpu.memory_space<vmem>>) target_semaphore(%run_scoped3A : memref<!tpu.dma_semaphore, #tpu.memory_space<semaphore_mem>>)
      tpu.wait_dma2 semaphore(%run_scoped3A : memref<!tpu.dma_semaphore, #tpu.memory_space<semaphore_mem>>) src(%arg3 : memref<10240xf32, #tpu.memory_space<hbm>>) dst(%arg8 : memref<10240xf32, #tpu.memory_space<vmem>>)
      tpu.yield
    }) : () -> ()
    "tpu.region"() ({
      %run_scoped3A = tpu.sem_alloc : memref<!tpu.dma_semaphore, #tpu.memory_space<semaphore_mem>>
      %dma_start3A = tpu.memref_slice %arg4[%mul3A_2] : memref<163840xi32, #tpu.memory_space<hbm>> -> memref<5120xi32, #tpu.memory_space<hbm>>
      %dma_start3A_7 = tpu.memref_slice %arg4[%mul3A_2] : memref<163840xi32, #tpu.memory_space<hbm>> -> memref<5120xi32, #tpu.memory_space<hbm>>
      tpu.enqueue_dma source(%dma_start3A_7 : memref<5120xi32, #tpu.memory_space<hbm>>) target(%arg9 : memref<5120xi32, #tpu.memory_space<vmem>>) target_semaphore(%run_scoped3A : memref<!tpu.dma_semaphore, #tpu.memory_space<semaphore_mem>>)
      %dma_wait3A = tpu.memref_slice %arg4[%mul3A_2] : memref<163840xi32, #tpu.memory_space<hbm>> -> memref<5120xi32, #tpu.memory_space<hbm>>
      %dma_wait3A_8 = tpu.memref_slice %arg4[%mul3A_2] : memref<163840xi32, #tpu.memory_space<hbm>> -> memref<5120xi32, #tpu.memory_space<hbm>>
      tpu.wait_dma2 semaphore(%run_scoped3A : memref<!tpu.dma_semaphore, #tpu.memory_space<semaphore_mem>>) src(%dma_wait3A_8 : memref<5120xi32, #tpu.memory_space<hbm>>) dst(%arg9 : memref<5120xi32, #tpu.memory_space<vmem>>)
      tpu.yield
    }) : () -> ()
    "tpu.region"() ({
      %run_scoped3A = tpu.sem_alloc : memref<!tpu.dma_semaphore, #tpu.memory_space<semaphore_mem>>
      %dma_start3A = tpu.memref_slice %arg5[%mul3A_2] : memref<163840xi32, #tpu.memory_space<hbm>> -> memref<5120xi32, #tpu.memory_space<hbm>>
      %dma_start3A_7 = tpu.memref_slice %arg5[%mul3A_2] : memref<163840xi32, #tpu.memory_space<hbm>> -> memref<5120xi32, #tpu.memory_space<hbm>>
      tpu.enqueue_dma source(%dma_start3A_7 : memref<5120xi32, #tpu.memory_space<hbm>>) target(%arg10 : memref<5120xi32, #tpu.memory_space<vmem>>) target_semaphore(%run_scoped3A : memref<!tpu.dma_semaphore, #tpu.memory_space<semaphore_mem>>)
      %dma_wait3A = tpu.memref_slice %arg5[%mul3A_2] : memref<163840xi32, #tpu.memory_space<hbm>> -> memref<5120xi32, #tpu.memory_space<hbm>>
      %dma_wait3A_8 = tpu.memref_slice %arg5[%mul3A_2] : memref<163840xi32, #tpu.memory_space<hbm>> -> memref<5120xi32, #tpu.memory_space<hbm>>
      tpu.wait_dma2 semaphore(%run_scoped3A : memref<!tpu.dma_semaphore, #tpu.memory_space<semaphore_mem>>) src(%dma_wait3A_8 : memref<5120xi32, #tpu.memory_space<hbm>>) dst(%arg10 : memref<5120xi32, #tpu.memory_space<vmem>>)
      tpu.yield
    }) : () -> ()
    %scan3A = arith.constant 0 : i32
    %scan3A_3 = arith.constant 320 : i32
    %scan3A_4 = arith.addi %scan3A, %scan3A_3 : i32
    %scan3A_5 = arith.constant 1 : i32
    scf.for %scan3A_7 = %scan3A to %scan3A_4 step %scan3A_5  : i32 {
      %mul3A_8 = arith.constant 1 : i32
      %mul3A_9 = arith.muli %scan3A_7, %mul3A_8 : i32
      %add3A_10 = arith.constant 0 : i32
      %add3A_11 = arith.addi %add3A_10, %mul3A_9 : i32
      %mul3A_12 = arith.constant 16 : i32
      %mul3A_13 = arith.muli %add3A_11, %mul3A_12 : i32
      %get3A = arith.index_cast %mul3A_13 : i32 to index
      %get3A_14 = tpu.vector_load %arg9[%get3A] {strides = array<i32>} : memref<5120xi32, #tpu.memory_space<vmem>>, vector<16xi32>,
      %mul3A_15 = arith.constant 16 : i32
      %mul3A_16 = arith.muli %add3A_11, %mul3A_15 : i32
      %get3A_17 = arith.index_cast %mul3A_16 : i32 to index
      %get3A_18 = tpu.vector_load %arg10[%get3A_17] {strides = array<i32>} : memref<5120xi32, #tpu.memory_space<vmem>>, vector<16xi32>,
      %gather3A = tpu.vector_load_idx %arg7[%get3A_14] : memref<10240xf32, #tpu.memory_space<vmem>>[vector<16xi32>], vector<16xf32>,
      %gather3A_19 = tpu.vector_load_idx %arg8[%get3A_18] : memref<10240xf32, #tpu.memory_space<vmem>>[vector<16xi32>], vector<16xf32>,
      %add3A_20 = arith.addf %gather3A, %gather3A_19 : vector<16xf32>
      %mul3A_21 = arith.constant 16 : i32
      %mul3A_22 = arith.muli %add3A_11, %mul3A_21 : i32
      %swap3A = arith.index_cast %mul3A_22 : i32 to index
      %swap3A_23 = tpu.vector_load %arg11[%swap3A] {strides = array<i32>} : memref<5120xf32, #tpu.memory_space<vmem>>, vector<16xf32>,
      tpu.vector_store %arg11[%swap3A], %add3A_20 {strides = array<i32>} : memref<5120xf32, #tpu.memory_space<vmem>>, vector<16xf32>,
    }
    %scan3A_6 = arith.constant 320 : i32
    "tpu.region"() ({
      %run_scoped3A = tpu.sem_alloc : memref<!tpu.dma_semaphore, #tpu.memory_space<semaphore_mem>>
      %dma_start3A = tpu.memref_slice %arg6[%mul3A_2] : memref<163840xf32, #tpu.memory_space<hbm>> -> memref<5120xf32, #tpu.memory_space<hbm>>
      %dma_start3A_7 = tpu.memref_slice %arg6[%mul3A_2] : memref<163840xf32, #tpu.memory_space<hbm>> -> memref<5120xf32, #tpu.memory_space<hbm>>
      tpu.enqueue_dma source(%arg11 : memref<5120xf32, #tpu.memory_space<vmem>>) target(%dma_start3A_7 : memref<5120xf32, #tpu.memory_space<hbm>>) target_semaphore(%run_scoped3A : memref<!tpu.dma_semaphore, #tpu.memory_space<semaphore_mem>>)
      %dma_wait3A = tpu.memref_slice %arg6[%mul3A_2] : memref<163840xf32, #tpu.memory_space<hbm>> -> memref<5120xf32, #tpu.memory_space<hbm>>
      %dma_wait3A_8 = tpu.memref_slice %arg6[%mul3A_2] : memref<163840xf32, #tpu.memory_space<hbm>> -> memref<5120xf32, #tpu.memory_space<hbm>>
      tpu.wait_dma2 semaphore(%run_scoped3A : memref<!tpu.dma_semaphore, #tpu.memory_space<semaphore_mem>>) src(%arg11 : memref<5120xf32, #tpu.memory_space<vmem>>) dst(%dma_wait3A_8 : memref<5120xf32, #tpu.memory_space<hbm>>)
      tpu.yield
    }) : () -> ()
    return
  }
}

module attributes {stable_mosaic.version = 14 : i64} {
  func.func @body(%arg0: i32, %arg1: memref<1024x768xf32, #tpu.memory_space<vmem>>, %arg2: memref<768x128xf32, #tpu.memory_space<vmem>>, %arg3: memref<1024x128xf32, #tpu.memory_space<vmem>>) attributes {dimension_semantics = [#tpu.dimension_semantics<arbitrary>], iteration_bounds = array<i64: 10>, scalar_prefetch = 0 : i64, scratch_operands = 0 : i64, tpu.core_type = #tpu.core_type<tc>, window_params = [{transform_indices = @transform_0, window_bounds = array<i64: 1024, 768>}, {pipeline_mode = #tpu.pipeline_mode<synchronous>, transform_indices = @transform_1, window_bounds = array<i64: 768, 128>}, {transform_indices = @transform_2, window_bounds = array<i64: 1024, 128>}]} {
    %get3A = arith.constant 0 : index
    %get3A_0 = arith.constant 0 : index
    %get3A_1 = vector.load %arg1[%get3A, %get3A_0] : memref<1024x768xf32, #tpu.memory_space<vmem>>, vector<1024x768xf32>
    %get3A_2 = arith.constant 0 : index
    %get3A_3 = arith.constant 0 : index
    %get3A_4 = vector.load %arg2[%get3A_2, %get3A_3] : memref<768x128xf32, #tpu.memory_space<vmem>>, vector<768x128xf32>
    %dot_general3A = arith.constant dense<0.000000e+00> : vector<1024x128xf32>
    %dot_general3A_5 = tpu.matmul %get3A_1, %get3A_4, %dot_general3A {dimension_numbers = #tpu.dot_dimension_numbers<[1], [0], [0], [1], [0, 0, 1, 1], [], []>, transpose_lhs_hint = false} : vector<1024x768xf32>, vector<768x128xf32>, vector<1024x128xf32> -> vector<1024x128xf32>
    %swap3A = arith.constant 0 : index
    %swap3A_6 = arith.constant 0 : index
    %swap3A_7 = vector.load %arg3[%swap3A, %swap3A_6] : memref<1024x128xf32, #tpu.memory_space<vmem>>, vector<1024x128xf32>
    tpu.vector_store %arg3[%swap3A, %swap3A_6], %dot_general3A_5 {strides = array<i32>} : memref<1024x128xf32, #tpu.memory_space<vmem>>, vector<1024x128xf32>,
    return
  }
  func.func @transform_0(%arg0: i32) -> (i32, i32) {
    %c0_i32 = arith.constant 0 : i32
    %c0_i32_0 = arith.constant 0 : i32
    return %arg0, %c0_i32 : i32, i32
  }
  func.func @transform_1(%arg0: i32) -> (i32, i32) {
    %c0_i32 = arith.constant 0 : i32
    %c0_i32_0 = arith.constant 0 : i32
    %c0_i32_1 = arith.constant 0 : i32
    return %c0_i32, %c0_i32_0 : i32, i32
  }
  func.func @transform_2(%arg0: i32) -> (i32, i32) {
    %c0_i32 = arith.constant 0 : i32
    %c0_i32_0 = arith.constant 0 : i32
    return %arg0, %c0_i32 : i32, i32
  }
}

module attributes {stable_mosaic.version = 14 : i64} {
  func.func @body(%arg0: i32, %arg1: memref<1024x128xf32, #tpu.memory_space<vmem>>, %arg2: memref<2x1024x16xf32, #tpu.memory_space<vmem>>, %arg3: memref<2x1024x64xf32, #tpu.memory_space<vmem>>, %arg4: memref<1024x1xf32, #tpu.memory_space<vmem>>) attributes {dimension_semantics = [#tpu.dimension_semantics<arbitrary>], iteration_bounds = array<i64: 10>, scalar_prefetch = 0 : i64, scratch_operands = 0 : i64, tpu.core_type = #tpu.core_type<tc>, window_params = [{transform_indices = @transform_0, window_bounds = array<i64: 1024, 128>}, {transform_indices = @transform_1, window_bounds = array<i64: 2, 1024, 16>}, {transform_indices = @transform_2, window_bounds = array<i64: 2, 1024, 64>}, {transform_indices = @transform_3, window_bounds = array<i64: 1024, 1>}]} {
    %get3A = arith.constant 0 : index
    %get3A_0 = arith.constant 0 : index
    %get3A_1 = arith.constant 0 : index
    %get3A_2 = vector.load %arg2[%get3A, %get3A_0, %get3A_1] : memref<2x1024x16xf32, #tpu.memory_space<vmem>>, vector<1x1024x1xf32>
    %get3A_3 = vector.shape_cast %get3A_2 : vector<1x1024x1xf32> to vector<1024x1xf32>
    %get3A_4 = arith.constant 1 : index
    %get3A_5 = arith.constant 0 : index
    %get3A_6 = arith.constant 0 : index
    %get3A_7 = vector.load %arg2[%get3A_4, %get3A_5, %get3A_6] : memref<2x1024x16xf32, #tpu.memory_space<vmem>>, vector<1x1024x1xf32>
    %get3A_8 = vector.shape_cast %get3A_7 : vector<1x1024x1xf32> to vector<1024x1xf32>
    %add3A = arith.addf %get3A_3, %get3A_8 : vector<1024x1xf32>
    %add3A_9 = arith.constant 1.000000e+00 : f32
    %add3A_10 = vector.broadcast %add3A_9 : f32 to vector<1024x1xf32>
    %add3A_11 = arith.addf %add3A, %add3A_10 : vector<1024x1xf32>
    %rsqrt3A = math.rsqrt %add3A_11 : vector<1024x1xf32>
    %swap3A = arith.constant 0 : index
    %swap3A_12 = arith.constant 0 : index
    %swap3A_13 = vector.load %arg4[%swap3A, %swap3A_12] : memref<1024x1xf32, #tpu.memory_space<vmem>>, vector<1024x1xf32>
    tpu.vector_store %arg4[%swap3A, %swap3A_12], %rsqrt3A {strides = array<i32>} : memref<1024x1xf32, #tpu.memory_space<vmem>>, vector<1024x1xf32>,
    %get3A_14 = arith.constant 0 : index
    %get3A_15 = arith.constant 0 : index
    %get3A_16 = vector.load %arg1[%get3A_14, %get3A_15] : memref<1024x128xf32, #tpu.memory_space<vmem>>, vector<1024x128xf32>
    %mul3A = vector.broadcast %rsqrt3A : vector<1024x1xf32> to vector<1024x128xf32>
    %mul3A_17 = arith.mulf %get3A_16, %mul3A : vector<1024x128xf32>
    %slice3A = vector.extract_strided_slice %mul3A_17 {offsets = [0, 0], sizes = [1024, 64], strides = [1, 1]} : vector<1024x128xf32> to vector<1024x64xf32>
    %swap3A_18 = arith.constant 0 : index
    %swap3A_19 = arith.constant 0 : index
    %swap3A_20 = arith.constant 0 : index
    %swap3A_21 = vector.load %arg3[%swap3A_18, %swap3A_19, %swap3A_20] : memref<2x1024x64xf32, #tpu.memory_space<vmem>>, vector<1x1024x64xf32>
    %swap3A_22 = vector.shape_cast %swap3A_21 : vector<1x1024x64xf32> to vector<1024x64xf32>
    %swap3A_23 = vector.shape_cast %slice3A : vector<1024x64xf32> to vector<1x1024x64xf32>
    tpu.vector_store %arg3[%swap3A_18, %swap3A_19, %swap3A_20], %swap3A_23 {strides = array<i32>} : memref<2x1024x64xf32, #tpu.memory_space<vmem>>, vector<1x1024x64xf32>,
    %slice3A_24 = vector.extract_strided_slice %mul3A_17 {offsets = [0, 64], sizes = [1024, 64], strides = [1, 1]} : vector<1024x128xf32> to vector<1024x64xf32>
    %swap3A_25 = arith.constant 1 : index
    %swap3A_26 = arith.constant 0 : index
    %swap3A_27 = arith.constant 0 : index
    %swap3A_28 = vector.load %arg3[%swap3A_25, %swap3A_26, %swap3A_27] : memref<2x1024x64xf32, #tpu.memory_space<vmem>>, vector<1x1024x64xf32>
    %swap3A_29 = vector.shape_cast %swap3A_28 : vector<1x1024x64xf32> to vector<1024x64xf32>
    %swap3A_30 = vector.shape_cast %slice3A_24 : vector<1024x64xf32> to vector<1x1024x64xf32>
    tpu.vector_store %arg3[%swap3A_25, %swap3A_26, %swap3A_27], %swap3A_30 {strides = array<i32>} : memref<2x1024x64xf32, #tpu.memory_space<vmem>>, vector<1x1024x64xf32>,
    return
  }
  func.func @transform_0(%arg0: i32) -> (i32, i32) {
    %c0_i32 = arith.constant 0 : i32
    %c0_i32_0 = arith.constant 0 : i32
    return %arg0, %c0_i32 : i32, i32
  }
  func.func @transform_1(%arg0: i32) -> (i32, i32, i32) {
    %c0_i32 = arith.constant 0 : i32
    %c0_i32_0 = arith.constant 0 : i32
    %c0_i32_1 = arith.constant 0 : i32
    return %c0_i32, %arg0, %c0_i32_0 : i32, i32, i32
  }
  func.func @transform_2(%arg0: i32) -> (i32, i32, i32) {
    %c0_i32 = arith.constant 0 : i32
    %c0_i32_0 = arith.constant 0 : i32
    %c0_i32_1 = arith.constant 0 : i32
    return %c0_i32, %arg0, %c0_i32_0 : i32, i32, i32
  }
  func.func @transform_3(%arg0: i32) -> (i32, i32) {
    %c0_i32 = arith.constant 0 : i32
    %c0_i32_0 = arith.constant 0 : i32
    return %arg0, %c0_i32 : i32, i32
  }
}

module attributes {stable_mosaic.version = 14 : i64} {
  func.func @body(%arg0: i32, %arg1: memref<2x1024x64xf32, #tpu.memory_space<vmem>>, %arg2: memref<1024x1xf32, #tpu.memory_space<vmem>>, %arg3: memref<1x128xf32, #tpu.memory_space<vmem>>, %arg4: memref<128x128xf32, #tpu.memory_space<vmem>>, %arg5: memref<128x2xf32, #tpu.memory_space<vmem>>, %arg6: memref<2x1024x64xf32, #tpu.memory_space<vmem>>, %arg7: memref<1024x2xf32, #tpu.memory_space<vmem>>) attributes {dimension_semantics = [#tpu.dimension_semantics<arbitrary>], iteration_bounds = array<i64: 10>, scalar_prefetch = 0 : i64, scratch_operands = 0 : i64, tpu.core_type = #tpu.core_type<tc>, window_params = [{transform_indices = @transform_0, window_bounds = array<i64: 2, 1024, 64>}, {transform_indices = @transform_1, window_bounds = array<i64: 1024, 1>}, {pipeline_mode = #tpu.pipeline_mode<synchronous>, transform_indices = @transform_2, window_bounds = array<i64: 1, 128>}, {pipeline_mode = #tpu.pipeline_mode<synchronous>, transform_indices = @transform_3, window_bounds = array<i64: 128, 128>}, {pipeline_mode = #tpu.pipeline_mode<synchronous>, transform_indices = @transform_4, window_bounds = array<i64: 128, 2>}, {transform_indices = @transform_5, window_bounds = array<i64: 2, 1024, 64>}, {transform_indices = @transform_6, window_bounds = array<i64: 1024, 2>}]} {
    %get3A = arith.constant 0 : index
    %get3A_0 = arith.constant 0 : index
    %get3A_1 = arith.constant 0 : index
    %get3A_2 = vector.load %arg1[%get3A, %get3A_0, %get3A_1] : memref<2x1024x64xf32, #tpu.memory_space<vmem>>, vector<1x1024x64xf32>
    %get3A_3 = vector.shape_cast %get3A_2 : vector<1x1024x64xf32> to vector<1024x64xf32>
    %get3A_4 = arith.constant 1 : index
    %get3A_5 = arith.constant 0 : index
    %get3A_6 = arith.constant 0 : index
    %get3A_7 = vector.load %arg1[%get3A_4, %get3A_5, %get3A_6] : memref<2x1024x64xf32, #tpu.memory_space<vmem>>, vector<1x1024x64xf32>
    %get3A_8 = vector.shape_cast %get3A_7 : vector<1x1024x64xf32> to vector<1024x64xf32>
    %concatenate3A = tpu.concatenate %get3A_3, %get3A_8 in 1 : vector<1024x64xf32>, vector<1024x64xf32> -> vector<1024x128xf32>
    %get3A_9 = arith.constant 0 : index
    %get3A_10 = arith.constant 0 : index
    %get3A_11 = vector.load %arg2[%get3A_9, %get3A_10] : memref<1024x1xf32, #tpu.memory_space<vmem>>, vector<1024x1xf32>
    %mul3A = vector.broadcast %get3A_11 : vector<1024x1xf32> to vector<1024x128xf32>
    %mul3A_12 = arith.mulf %mul3A, %concatenate3A : vector<1024x128xf32>
    %get3A_13 = arith.constant 0 : index
    %get3A_14 = arith.constant 0 : index
    %get3A_15 = vector.load %arg3[%get3A_13, %get3A_14] : memref<1x128xf32, #tpu.memory_space<vmem>>, vector<1x128xf32>
    %add3A = vector.broadcast %get3A_15 : vector<1x128xf32> to vector<1024x128xf32>
    %add3A_16 = arith.addf %mul3A_12, %add3A : vector<1024x128xf32>
    %tanh3A = math.tanh %add3A_16 : vector<1024x128xf32>
    %get3A_17 = arith.constant 0 : index
    %get3A_18 = arith.constant 0 : index
    %get3A_19 = vector.load %arg4[%get3A_17, %get3A_18] : memref<128x128xf32, #tpu.memory_space<vmem>>, vector<128x128xf32>
    %dot_general3A = arith.constant dense<0.000000e+00> : vector<1024x128xf32>
    %dot_general3A_20 = tpu.matmul %tanh3A, %get3A_19, %dot_general3A {dimension_numbers = #tpu.dot_dimension_numbers<[1], [0], [0], [1], [0, 0, 1, 1], [], []>, transpose_lhs_hint = false} : vector<1024x128xf32>, vector<128x128xf32>, vector<1024x128xf32> -> vector<1024x128xf32>
    %mul3A_21 = vector.broadcast %get3A_11 : vector<1024x1xf32> to vector<1024x128xf32>
    %mul3A_22 = arith.mulf %dot_general3A_20, %mul3A_21 : vector<1024x128xf32>
    %slice3A = vector.extract_strided_slice %mul3A_22 {offsets = [0, 0], sizes = [1024, 64], strides = [1, 1]} : vector<1024x128xf32> to vector<1024x64xf32>
    %swap3A = arith.constant 0 : index
    %swap3A_23 = arith.constant 0 : index
    %swap3A_24 = arith.constant 0 : index
    %swap3A_25 = vector.load %arg6[%swap3A, %swap3A_23, %swap3A_24] : memref<2x1024x64xf32, #tpu.memory_space<vmem>>, vector<1x1024x64xf32>
    %swap3A_26 = vector.shape_cast %swap3A_25 : vector<1x1024x64xf32> to vector<1024x64xf32>
    %swap3A_27 = vector.shape_cast %slice3A : vector<1024x64xf32> to vector<1x1024x64xf32>
    tpu.vector_store %arg6[%swap3A, %swap3A_23, %swap3A_24], %swap3A_27 {strides = array<i32>} : memref<2x1024x64xf32, #tpu.memory_space<vmem>>, vector<1x1024x64xf32>,
    %slice3A_28 = vector.extract_strided_slice %mul3A_22 {offsets = [0, 64], sizes = [1024, 64], strides = [1, 1]} : vector<1024x128xf32> to vector<1024x64xf32>
    %swap3A_29 = arith.constant 1 : index
    %swap3A_30 = arith.constant 0 : index
    %swap3A_31 = arith.constant 0 : index
    %swap3A_32 = vector.load %arg6[%swap3A_29, %swap3A_30, %swap3A_31] : memref<2x1024x64xf32, #tpu.memory_space<vmem>>, vector<1x1024x64xf32>
    %swap3A_33 = vector.shape_cast %swap3A_32 : vector<1x1024x64xf32> to vector<1024x64xf32>
    %swap3A_34 = vector.shape_cast %slice3A_28 : vector<1024x64xf32> to vector<1x1024x64xf32>
    tpu.vector_store %arg6[%swap3A_29, %swap3A_30, %swap3A_31], %swap3A_34 {strides = array<i32>} : memref<2x1024x64xf32, #tpu.memory_space<vmem>>, vector<1x1024x64xf32>,
    %get3A_35 = arith.constant 0 : index
    %get3A_36 = arith.constant 0 : index
    %get3A_37 = vector.load %arg5[%get3A_35, %get3A_36] : memref<128x2xf32, #tpu.memory_space<vmem>>, vector<128x2xf32>
    %dot_general3A_38 = arith.constant dense<0.000000e+00> : vector<1024x2xf32>
    %dot_general3A_39 = tpu.matmul %tanh3A, %get3A_37, %dot_general3A_38 {dimension_numbers = #tpu.dot_dimension_numbers<[1], [0], [0], [1], [0, 0, 1, 1], [], []>, transpose_lhs_hint = false} : vector<1024x128xf32>, vector<128x2xf32>, vector<1024x2xf32> -> vector<1024x2xf32>
    %swap3A_40 = arith.constant 0 : index
    %swap3A_41 = arith.constant 0 : index
    %swap3A_42 = vector.load %arg7[%swap3A_40, %swap3A_41] : memref<1024x2xf32, #tpu.memory_space<vmem>>, vector<1024x2xf32>
    tpu.vector_store %arg7[%swap3A_40, %swap3A_41], %dot_general3A_39 {strides = array<i32>} : memref<1024x2xf32, #tpu.memory_space<vmem>>, vector<1024x2xf32>,
    return
  }
  func.func @transform_0(%arg0: i32) -> (i32, i32, i32) {
    %c0_i32 = arith.constant 0 : i32
    %c0_i32_0 = arith.constant 0 : i32
    %c0_i32_1 = arith.constant 0 : i32
    return %c0_i32, %arg0, %c0_i32_0 : i32, i32, i32
  }
  func.func @transform_1(%arg0: i32) -> (i32, i32) {
    %c0_i32 = arith.constant 0 : i32
    %c0_i32_0 = arith.constant 0 : i32
    return %arg0, %c0_i32 : i32, i32
  }
  func.func @transform_2(%arg0: i32) -> (i32, i32) {
    %c0_i32 = arith.constant 0 : i32
    %c0_i32_0 = arith.constant 0 : i32
    %c0_i32_1 = arith.constant 0 : i32
    return %c0_i32, %c0_i32_0 : i32, i32
  }
  func.func @transform_3(%arg0: i32) -> (i32, i32) {
    %c0_i32 = arith.constant 0 : i32
    %c0_i32_0 = arith.constant 0 : i32
    %c0_i32_1 = arith.constant 0 : i32
    return %c0_i32, %c0_i32_0 : i32, i32
  }
  func.func @transform_4(%arg0: i32) -> (i32, i32) {
    %c0_i32 = arith.constant 0 : i32
    %c0_i32_0 = arith.constant 0 : i32
    %c0_i32_1 = arith.constant 0 : i32
    return %c0_i32, %c0_i32_0 : i32, i32
  }
  func.func @transform_5(%arg0: i32) -> (i32, i32, i32) {
    %c0_i32 = arith.constant 0 : i32
    %c0_i32_0 = arith.constant 0 : i32
    %c0_i32_1 = arith.constant 0 : i32
    return %c0_i32, %arg0, %c0_i32_0 : i32, i32, i32
  }
  func.func @transform_6(%arg0: i32) -> (i32, i32) {
    %c0_i32 = arith.constant 0 : i32
    %c0_i32_0 = arith.constant 0 : i32
    return %arg0, %c0_i32 : i32, i32
  }
}

module attributes {stable_mosaic.version = 14 : i64} {
  func.func @body(%arg0: i32, %arg1: memref<2x1024x64xf32, #tpu.memory_space<vmem>>, %arg2: memref<1024x1xf32, #tpu.memory_space<vmem>>, %arg3: memref<1x128xf32, #tpu.memory_space<vmem>>, %arg4: memref<128x1xf32, #tpu.memory_space<vmem>>, %arg5: memref<128x2xf32, #tpu.memory_space<vmem>>, %arg6: memref<1024x16xf32, #tpu.memory_space<vmem>>, %arg7: memref<1024x2xf32, #tpu.memory_space<vmem>>) attributes {dimension_semantics = [#tpu.dimension_semantics<arbitrary>], iteration_bounds = array<i64: 10>, scalar_prefetch = 0 : i64, scratch_operands = 0 : i64, tpu.core_type = #tpu.core_type<tc>, window_params = [{transform_indices = @transform_0, window_bounds = array<i64: 2, 1024, 64>}, {transform_indices = @transform_1, window_bounds = array<i64: 1024, 1>}, {pipeline_mode = #tpu.pipeline_mode<synchronous>, transform_indices = @transform_2, window_bounds = array<i64: 1, 128>}, {pipeline_mode = #tpu.pipeline_mode<synchronous>, transform_indices = @transform_3, window_bounds = array<i64: 128, 1>}, {pipeline_mode = #tpu.pipeline_mode<synchronous>, transform_indices = @transform_4, window_bounds = array<i64: 128, 2>}, {transform_indices = @transform_5, window_bounds = array<i64: 1024, 16>}, {transform_indices = @transform_6, window_bounds = array<i64: 1024, 2>}]} {
    %get3A = arith.constant 0 : index
    %get3A_0 = arith.constant 0 : index
    %get3A_1 = arith.constant 0 : index
    %get3A_2 = vector.load %arg1[%get3A, %get3A_0, %get3A_1] : memref<2x1024x64xf32, #tpu.memory_space<vmem>>, vector<1x1024x64xf32>
    %get3A_3 = vector.shape_cast %get3A_2 : vector<1x1024x64xf32> to vector<1024x64xf32>
    %get3A_4 = arith.constant 1 : index
    %get3A_5 = arith.constant 0 : index
    %get3A_6 = arith.constant 0 : index
    %get3A_7 = vector.load %arg1[%get3A_4, %get3A_5, %get3A_6] : memref<2x1024x64xf32, #tpu.memory_space<vmem>>, vector<1x1024x64xf32>
    %get3A_8 = vector.shape_cast %get3A_7 : vector<1x1024x64xf32> to vector<1024x64xf32>
    %concatenate3A = tpu.concatenate %get3A_3, %get3A_8 in 1 : vector<1024x64xf32>, vector<1024x64xf32> -> vector<1024x128xf32>
    %get3A_9 = arith.constant 0 : index
    %get3A_10 = arith.constant 0 : index
    %get3A_11 = vector.load %arg2[%get3A_9, %get3A_10] : memref<1024x1xf32, #tpu.memory_space<vmem>>, vector<1024x1xf32>
    %mul3A = vector.broadcast %get3A_11 : vector<1024x1xf32> to vector<1024x128xf32>
    %mul3A_12 = arith.mulf %mul3A, %concatenate3A : vector<1024x128xf32>
    %get3A_13 = arith.constant 0 : index
    %get3A_14 = arith.constant 0 : index
    %get3A_15 = vector.load %arg3[%get3A_13, %get3A_14] : memref<1x128xf32, #tpu.memory_space<vmem>>, vector<1x128xf32>
    %add3A = vector.broadcast %get3A_15 : vector<1x128xf32> to vector<1024x128xf32>
    %add3A_16 = arith.addf %mul3A_12, %add3A : vector<1024x128xf32>
    %tanh3A = math.tanh %add3A_16 : vector<1024x128xf32>
    %get3A_17 = arith.constant 0 : index
    %get3A_18 = arith.constant 0 : index
    %get3A_19 = vector.load %arg4[%get3A_17, %get3A_18] : memref<128x1xf32, #tpu.memory_space<vmem>>, vector<128x1xf32>
    %dot_general3A = arith.constant dense<0.000000e+00> : vector<1024x1xf32>
    %dot_general3A_20 = tpu.matmul %tanh3A, %get3A_19, %dot_general3A {dimension_numbers = #tpu.dot_dimension_numbers<[1], [0], [0], [1], [0, 0, 1, 1], [], []>, transpose_lhs_hint = false} : vector<1024x128xf32>, vector<128x1xf32>, vector<1024x1xf32> -> vector<1024x1xf32>
    %mul3A_21 = arith.mulf %dot_general3A_20, %get3A_11 : vector<1024x1xf32>
    %broadcast_in_dim3A = vector.shape_cast %mul3A_21 : vector<1024x1xf32> to vector<1024x1xf32>
    %broadcast_in_dim3A_22 = vector.broadcast %broadcast_in_dim3A : vector<1024x1xf32> to vector<1024x16xf32>
    %swap3A = arith.constant 0 : index
    %swap3A_23 = arith.constant 0 : index
    %swap3A_24 = vector.load %arg6[%swap3A, %swap3A_23] : memref<1024x16xf32, #tpu.memory_space<vmem>>, vector<1024x16xf32>
    tpu.vector_store %arg6[%swap3A, %swap3A_23], %broadcast_in_dim3A_22 {strides = array<i32>} : memref<1024x16xf32, #tpu.memory_space<vmem>>, vector<1024x16xf32>,
    %get3A_25 = arith.constant 0 : index
    %get3A_26 = arith.constant 0 : index
    %get3A_27 = vector.load %arg5[%get3A_25, %get3A_26] : memref<128x2xf32, #tpu.memory_space<vmem>>, vector<128x2xf32>
    %dot_general3A_28 = arith.constant dense<0.000000e+00> : vector<1024x2xf32>
    %dot_general3A_29 = tpu.matmul %tanh3A, %get3A_27, %dot_general3A_28 {dimension_numbers = #tpu.dot_dimension_numbers<[1], [0], [0], [1], [0, 0, 1, 1], [], []>, transpose_lhs_hint = false} : vector<1024x128xf32>, vector<128x2xf32>, vector<1024x2xf32> -> vector<1024x2xf32>
    %swap3A_30 = arith.constant 0 : index
    %swap3A_31 = arith.constant 0 : index
    %swap3A_32 = vector.load %arg7[%swap3A_30, %swap3A_31] : memref<1024x2xf32, #tpu.memory_space<vmem>>, vector<1024x2xf32>
    tpu.vector_store %arg7[%swap3A_30, %swap3A_31], %dot_general3A_29 {strides = array<i32>} : memref<1024x2xf32, #tpu.memory_space<vmem>>, vector<1024x2xf32>,
    return
  }
  func.func @transform_0(%arg0: i32) -> (i32, i32, i32) {
    %c0_i32 = arith.constant 0 : i32
    %c0_i32_0 = arith.constant 0 : i32
    %c0_i32_1 = arith.constant 0 : i32
    return %c0_i32, %arg0, %c0_i32_0 : i32, i32, i32
  }
  func.func @transform_1(%arg0: i32) -> (i32, i32) {
    %c0_i32 = arith.constant 0 : i32
    %c0_i32_0 = arith.constant 0 : i32
    return %arg0, %c0_i32 : i32, i32
  }
  func.func @transform_2(%arg0: i32) -> (i32, i32) {
    %c0_i32 = arith.constant 0 : i32
    %c0_i32_0 = arith.constant 0 : i32
    %c0_i32_1 = arith.constant 0 : i32
    return %c0_i32, %c0_i32_0 : i32, i32
  }
  func.func @transform_3(%arg0: i32) -> (i32, i32) {
    %c0_i32 = arith.constant 0 : i32
    %c0_i32_0 = arith.constant 0 : i32
    %c0_i32_1 = arith.constant 0 : i32
    return %c0_i32, %c0_i32_0 : i32, i32
  }
  func.func @transform_4(%arg0: i32) -> (i32, i32) {
    %c0_i32 = arith.constant 0 : i32
    %c0_i32_0 = arith.constant 0 : i32
    %c0_i32_1 = arith.constant 0 : i32
    return %c0_i32, %c0_i32_0 : i32, i32
  }
  func.func @transform_5(%arg0: i32) -> (i32, i32) {
    %c0_i32 = arith.constant 0 : i32
    %c0_i32_0 = arith.constant 0 : i32
    return %arg0, %c0_i32 : i32, i32
  }
  func.func @transform_6(%arg0: i32) -> (i32, i32) {
    %c0_i32 = arith.constant 0 : i32
    %c0_i32_0 = arith.constant 0 : i32
    return %arg0, %c0_i32 : i32, i32
  }
}

module attributes {stable_mosaic.version = 14 : i64} {
  func.func @body(%arg0: i32, %arg1: memref<2x1024x16xf32, #tpu.memory_space<vmem>>, %arg2: memref<1024x16xf32, #tpu.memory_space<vmem>>, %arg3: memref<1024x1xf32, #tpu.memory_space<vmem>>, %arg4: memref<1024x2xf32, #tpu.memory_space<vmem>>, %arg5: memref<1024x2xf32, #tpu.memory_space<vmem>>, %arg6: memref<1x1xf32, #tpu.memory_space<vmem>>, %arg7: memref<1x1xf32, #tpu.memory_space<vmem>>, %arg8: memref<1x1xf32, #tpu.memory_space<vmem>>, %arg9: memref<1x1xf32, #tpu.memory_space<vmem>>, %arg10: memref<1024x1xf32, #tpu.memory_space<vmem>>, %arg11: memref<1024x1xf32, #tpu.memory_space<vmem>>) attributes {dimension_semantics = [#tpu.dimension_semantics<arbitrary>], iteration_bounds = array<i64: 10>, scalar_prefetch = 0 : i64, scratch_operands = 0 : i64, tpu.core_type = #tpu.core_type<tc>, window_params = [{transform_indices = @transform_0, window_bounds = array<i64: 2, 1024, 16>}, {transform_indices = @transform_1, window_bounds = array<i64: 1024, 16>}, {transform_indices = @transform_2, window_bounds = array<i64: 1024, 1>}, {transform_indices = @transform_3, window_bounds = array<i64: 1024, 2>}, {transform_indices = @transform_4, window_bounds = array<i64: 1024, 2>}, {pipeline_mode = #tpu.pipeline_mode<synchronous>, transform_indices = @transform_5, window_bounds = array<i64: 1, 1>}, {pipeline_mode = #tpu.pipeline_mode<synchronous>, transform_indices = @transform_6, window_bounds = array<i64: 1, 1>}, {pipeline_mode = #tpu.pipeline_mode<synchronous>, transform_indices = @transform_7, window_bounds = array<i64: 1, 1>}, {pipeline_mode = #tpu.pipeline_mode<synchronous>, transform_indices = @transform_8, window_bounds = array<i64: 1, 1>}, {transform_indices = @transform_9, window_bounds = array<i64: 1024, 1>}, {transform_indices = @transform_10, window_bounds = array<i64: 1024, 1>}]} {
    %get3A = arith.constant 0 : index
    %get3A_0 = arith.constant 0 : index
    %get3A_1 = arith.constant 0 : index
    %get3A_2 = vector.load %arg1[%get3A, %get3A_0, %get3A_1] : memref<2x1024x16xf32, #tpu.memory_space<vmem>>, vector<1x1024x1xf32>
    %get3A_3 = vector.shape_cast %get3A_2 : vector<1x1024x1xf32> to vector<1024x1xf32>
    %get3A_4 = arith.constant 1 : index
    %get3A_5 = arith.constant 0 : index
    %get3A_6 = arith.constant 0 : index
    %get3A_7 = vector.load %arg1[%get3A_4, %get3A_5, %get3A_6] : memref<2x1024x16xf32, #tpu.memory_space<vmem>>, vector<1x1024x1xf32>
    %get3A_8 = vector.shape_cast %get3A_7 : vector<1x1024x1xf32> to vector<1024x1xf32>
    %add3A = arith.addf %get3A_3, %get3A_8 : vector<1024x1xf32>
    %get3A_9 = arith.constant 0 : index
    %get3A_10 = arith.constant 0 : index
    %get3A_11 = vector.load %arg2[%get3A_9, %get3A_10] : memref<1024x16xf32, #tpu.memory_space<vmem>>, vector<1024x1xf32>
    %sub3A = arith.subf %add3A, %get3A_11 : vector<1024x1xf32>
    %get3A_12 = arith.constant 0 : index
    %get3A_13 = arith.constant 0 : index
    %get3A_14 = vector.load %arg3[%get3A_12, %get3A_13] : memref<1024x1xf32, #tpu.memory_space<vmem>>, vector<1024x1xf32>
    %mul3A = arith.mulf %get3A_14, %sub3A : vector<1024x1xf32>
    %get3A_15 = arith.constant 0 : index
    %get3A_16 = arith.constant 0 : index
    %get3A_17 = vector.load %arg6[%get3A_15, %get3A_16] : memref<1x1xf32, #tpu.memory_space<vmem>>, vector<1x1xf32>
    %add3A_18 = vector.broadcast %get3A_17 : vector<1x1xf32> to vector<1024x1xf32>
    %add3A_19 = arith.addf %mul3A, %add3A_18 : vector<1024x1xf32>
    %tanh3A = math.tanh %add3A_19 : vector<1024x1xf32>
    %get3A_20 = arith.constant 0 : index
    %get3A_21 = arith.constant 0 : index
    %get3A_22 = vector.load %arg4[%get3A_20, %get3A_21] : memref<1024x2xf32, #tpu.memory_space<vmem>>, vector<1024x1xf32>
    %get3A_23 = arith.constant 0 : index
    %get3A_24 = arith.constant 0 : index
    %get3A_25 = vector.load %arg5[%get3A_23, %get3A_24] : memref<1024x2xf32, #tpu.memory_space<vmem>>, vector<1024x1xf32>
    %add3A_26 = arith.addf %get3A_22, %get3A_25 : vector<1024x1xf32>
    %get3A_27 = arith.constant 0 : index
    %get3A_28 = arith.constant 0 : index
    %get3A_29 = vector.load %arg7[%get3A_27, %get3A_28] : memref<1x1xf32, #tpu.memory_space<vmem>>, vector<1x1xf32>
    %mul3A_30 = vector.broadcast %get3A_29 : vector<1x1xf32> to vector<1024x1xf32>
    %mul3A_31 = arith.mulf %tanh3A, %mul3A_30 : vector<1024x1xf32>
    %add3A_32 = arith.addf %add3A_26, %mul3A_31 : vector<1024x1xf32>
    %get3A_33 = arith.constant 0 : index
    %get3A_34 = arith.constant 0 : index
    %get3A_35 = vector.load %arg9[%get3A_33, %get3A_34] : memref<1x1xf32, #tpu.memory_space<vmem>>, vector<1x1xf32>
    %add3A_36 = vector.broadcast %get3A_35 : vector<1x1xf32> to vector<1024x1xf32>
    %add3A_37 = arith.addf %add3A_32, %add3A_36 : vector<1024x1xf32>
    %swap3A = arith.constant 0 : index
    %swap3A_38 = arith.constant 0 : index
    %swap3A_39 = vector.load %arg10[%swap3A, %swap3A_38] : memref<1024x1xf32, #tpu.memory_space<vmem>>, vector<1024x1xf32>
    tpu.vector_store %arg10[%swap3A, %swap3A_38], %add3A_37 {strides = array<i32>} : memref<1024x1xf32, #tpu.memory_space<vmem>>, vector<1024x1xf32>,
    %get3A_40 = arith.constant 0 : index
    %get3A_41 = arith.constant 1 : index
    %get3A_42 = vector.load %arg4[%get3A_40, %get3A_41] : memref<1024x2xf32, #tpu.memory_space<vmem>>, vector<1024x1xf32>
    %get3A_43 = arith.constant 0 : index
    %get3A_44 = arith.constant 1 : index
    %get3A_45 = vector.load %arg5[%get3A_43, %get3A_44] : memref<1024x2xf32, #tpu.memory_space<vmem>>, vector<1024x1xf32>
    %add3A_46 = arith.addf %get3A_42, %get3A_45 : vector<1024x1xf32>
    %get3A_47 = arith.constant 0 : index
    %get3A_48 = arith.constant 0 : index
    %get3A_49 = vector.load %arg8[%get3A_47, %get3A_48] : memref<1x1xf32, #tpu.memory_space<vmem>>, vector<1x1xf32>
    %mul3A_50 = vector.broadcast %get3A_49 : vector<1x1xf32> to vector<1024x1xf32>
    %mul3A_51 = arith.mulf %tanh3A, %mul3A_50 : vector<1024x1xf32>
    %add3A_52 = arith.addf %add3A_46, %mul3A_51 : vector<1024x1xf32>
    %swap3A_53 = arith.constant 0 : index
    %swap3A_54 = arith.constant 0 : index
    %swap3A_55 = vector.load %arg11[%swap3A_53, %swap3A_54] : memref<1024x1xf32, #tpu.memory_space<vmem>>, vector<1024x1xf32>
    tpu.vector_store %arg11[%swap3A_53, %swap3A_54], %add3A_52 {strides = array<i32>} : memref<1024x1xf32, #tpu.memory_space<vmem>>, vector<1024x1xf32>,
    return
  }
  func.func @transform_0(%arg0: i32) -> (i32, i32, i32) {
    %c0_i32 = arith.constant 0 : i32
    %c0_i32_0 = arith.constant 0 : i32
    %c0_i32_1 = arith.constant 0 : i32
    return %c0_i32, %arg0, %c0_i32_0 : i32, i32, i32
  }
  func.func @transform_1(%arg0: i32) -> (i32, i32) {
    %c0_i32 = arith.constant 0 : i32
    %c0_i32_0 = arith.constant 0 : i32
    return %arg0, %c0_i32 : i32, i32
  }
  func.func @transform_2(%arg0: i32) -> (i32, i32) {
    %c0_i32 = arith.constant 0 : i32
    %c0_i32_0 = arith.constant 0 : i32
    return %arg0, %c0_i32 : i32, i32
  }
  func.func @transform_3(%arg0: i32) -> (i32, i32) {
    %c0_i32 = arith.constant 0 : i32
    %c0_i32_0 = arith.constant 0 : i32
    return %arg0, %c0_i32 : i32, i32
  }
  func.func @transform_4(%arg0: i32) -> (i32, i32) {
    %c0_i32 = arith.constant 0 : i32
    %c0_i32_0 = arith.constant 0 : i32
    return %arg0, %c0_i32 : i32, i32
  }
  func.func @transform_5(%arg0: i32) -> (i32, i32) {
    %c0_i32 = arith.constant 0 : i32
    %c0_i32_0 = arith.constant 0 : i32
    %c0_i32_1 = arith.constant 0 : i32
    return %c0_i32, %c0_i32_0 : i32, i32
  }
  func.func @transform_6(%arg0: i32) -> (i32, i32) {
    %c0_i32 = arith.constant 0 : i32
    %c0_i32_0 = arith.constant 0 : i32
    %c0_i32_1 = arith.constant 0 : i32
    return %c0_i32, %c0_i32_0 : i32, i32
  }
  func.func @transform_7(%arg0: i32) -> (i32, i32) {
    %c0_i32 = arith.constant 0 : i32
    %c0_i32_0 = arith.constant 0 : i32
    %c0_i32_1 = arith.constant 0 : i32
    return %c0_i32, %c0_i32_0 : i32, i32
  }
  func.func @transform_8(%arg0: i32) -> (i32, i32) {
    %c0_i32 = arith.constant 0 : i32
    %c0_i32_0 = arith.constant 0 : i32
    %c0_i32_1 = arith.constant 0 : i32
    return %c0_i32, %c0_i32_0 : i32, i32
  }
  func.func @transform_9(%arg0: i32) -> (i32, i32) {
    %c0_i32 = arith.constant 0 : i32
    %c0_i32_0 = arith.constant 0 : i32
    return %arg0, %c0_i32 : i32, i32
  }
  func.func @transform_10(%arg0: i32) -> (i32, i32) {
    %c0_i32 = arith.constant 0 : i32
    %c0_i32_0 = arith.constant 0 : i32
    return %arg0, %c0_i32 : i32, i32
  }
}

</mosaic_0001>

<sc_bundles>
// kernel: kernel.12.cloned.1.call-start
scs
__scs_entry_jumppad:
0x0: {  	(pc) =	sbr.rel $0x88, $3  }
0x1: {  	(tag) =	ssettag $0x0;
	lr =	simm.s32 $0x1  }
0x2: {  	[smem:$0x3F96] =	sst lr;
	_ =	strace $0xD0000000  }
0x3: {  	_ = 	snop  }
0x4: {  	_ = 	snop  }
0x5: {  	_ = 	snop  }
0x6: {  	_ = 	snop  }
0x7: {  	_ = 	snop  }
__scs_overlays_trampoline_lowered:
0x8: {  	[smem:$0x3FA5] =	sst s0  }
0x9: {  	[smem:$0x3FA6] =	sst s1  }
0xa: {  	[smem:$0x3FA7] =	sst s2  }
0xb: {  	[smem:$0x3FA8] =	sst s3  }
0xc: {  	[smem:$0x3FA9] =	sst s4  }
0xd: {  	[smem:$0x3FAA] =	sst s5  }
0xe: {  	[smem:$0x3FAB] =	sst s6  }
0xf: {  	[smem:$0x3FAC] =	sst s7  }
0x10: {  	[smem:$0x3FAD] =	sst s8  }
0x11: {  	[smem:$0x3FAE] =	sst s9;
	s0 =	simm.s32 @!p0 $0x0  }
0x12: {  	s1 =	sld [smem:$0x3F94];
	s0 =	simm.s32 @p0 $0x1  }
0x13: {  	[smem:$0x3FAF] =	sst s0;
	s0 =	simm.s32 @!p1 $0x0  }
0x14: {  	s2 =	sld [smem:$0x3F93];
	s0 =	simm.s32 @p1 $0x1  }
0x15: {  	[smem:$0x3FB0] =	sst s0;
	s0 =	simm.s32 @!p2 $0x0  }
0x16: {  	s3 =	sld [smem:$0x3FDB];
	s0 =	simm.s32 @p2 $0x1  }
0x17: {  	s4 =	simm.s32 $0x1BF5;
	[smem:$0x3FB2] =	sst s0  }
0x18: {  	s0 =	sld [smem:$0x3F95];
	_ =	swait.ge [sflag:s4], $0x0  }
0x19: {  	s7 =	sld [smem:$0x3F96]  }
0x1a: {  	s8 =	sadd.s32 $0xFFFFE003, lr  }
0x1b: {  	s9 =	sadd.s32 $0xFFFFFEF7, lr;
	s5 =	simm.s32 $0xFFFFFFFF;
	p2 =	slt.u32 s8, $0xFFFFF086  }
0x1c: {  	p1 =	slt.u32 s9, $0xF7A;
	s5 =	simm.s32 @!p2 $0x0  }
0x1d: {  	s5 =	simm.s32 @p1 $0x1;
	p0 =	seq.s32 s7, s2  }
0x1e: {  	s7 =	smul.u32 @!p0 $0xF7A, s2;
	p2 =	seq.s32 @!p0 s5, $0x0  }
0x1f: {  	s9 =	smul.u32 $0xF7A, s1;
	s8 =	simm.s32 @!p0 $0x1BF5;
	p2 =	por !p2, p0  }
0x20: {  	[sflag:s8] =	ssyncset.s32 @!p0 $0xFFFFF086;
	s6 =	sadd.s32 @!p0 s3, s7;
	s7 =	simm.s32 @!p0 $0x108  }
0x21: {  	s3 =	sadd.s32 s3, s9;
	s6 =	sadd.s32 @!p0 $0x88, s6;
	s7 =	simm.s32 @p2 $0x1082  }
0x22: {  	[simem:s7], [sflag:s8] =	dma.local @!p0 [hbm:s6], $0xF7A  }
0x23: {  	s9 =	sor.u32 $0xD0000000, s2;
	s6 =	simm.s32 $0x108;
	_ =	swait.ge @!p0 [sflag:s8], $0x0  }
0x24: {  	s3 =	sadd.s32 $0x88, s3;
	s6 =	simm.s32 @!p1 $0x1082;
	[sflag:s4] =	ssyncset.s32 $0xFFFFF086  }
0x25: {  	[simem:s6], [sflag:s4] =	dma.local [hbm:s3], $0xF7A  }
0x26: {  	[smem:$0x3F96] =	sst s1;
	(tag) =	ssettag s2;
	_ =	strace s9  }
0x27: {  	s1 =	sld [smem:$0x3FA6]  }
0x28: {  	s2 =	sld [smem:$0x3FA7]  }
0x29: {  	s4 =	sld [smem:$0x3FA9]  }
0x2a: {  	p0 =	seq.s32 s5, $0x0;
	s5 =	sld [smem:$0x3FAA]  }
0x2b: {  	s6 =	sld [smem:$0x3FAB]  }
0x2c: {  	s7 =	sld [smem:$0x3FAC]  }
0x2d: {  	s3 =	simm.s32 $0x108;
	s8 =	sld [smem:$0x3FAD]  }
0x2e: {  	s3 =	simm.s32 @!p0 $0x1082;
	s9 =	sld [smem:$0x3FAE]  }
0x2f: {  	lr =	sadd.s32 s0, s3;
	s0 =	sld [smem:$0x3FA5]  }
0x30: {  	s3 =	sld [smem:$0x3FA8]  }
0x31: {  	[smem:$0x3FB1] =	sst s10  }
0x32: {  	s10 =	sld [smem:$0x3FAF];
	_ =	sdelay $0x3  }
0x33: {  	p0 =	seq.s32 s10, $0x1;
	s10 =	sld [smem:$0x3FB1];
	_ =	sdelay $0x3  }
0x34: {  	[smem:$0x3FB1] =	sst s10  }
0x35: {  	s10 =	sld [smem:$0x3FB0];
	_ =	sdelay $0x3  }
0x36: {  	p1 =	seq.s32 s10, $0x1;
	s10 =	sld [smem:$0x3FB1];
	_ =	sdelay $0x3  }
0x37: {  	[smem:$0x3FB1] =	sst s10  }
0x38: {  	s10 =	sld [smem:$0x3FB2]  }
0x39: {  	_ = 	snop;
	(pc) =	sbr.ind lr, $3  }
0x3a: {  	_ = 	snop  }
0x3b: {  	_ = 	snop  }
0x3c: {  	p2 =	seq.s32 s10, $0x1;
	s10 =	sld [smem:$0x3FB1]  }
0x3d: {  	_ =	shalt  }
0x3e: {  	_ =	shalt  }
0x3f: {  	_ =	shalt  }
0x40: {  	_ =	shalt  }
0x41: {  	_ =	shalt  }
0x42: {  	_ =	shalt  }
0x43: {  	_ =	shalt  }
0x44: {  	_ =	shalt  }
0x45: {  	_ =	shalt  }
0x46: {  	_ =	shalt  }
0x47: {  	_ =	shalt  }
0x48: {  	_ =	shalt  }
0x49: {  	_ =	shalt  }
0x4a: {  	_ =	shalt  }
0x4b: {  	_ =	shalt  }
0x4c: {  	_ =	shalt  }
0x4d: {  	_ =	shalt  }
0x4e: {  	_ =	shalt  }
0x4f: {  	_ =	shalt  }
0x50: {  	_ =	shalt  }
0x51: {  	_ =	shalt  }
0x52: {  	_ =	shalt  }
0x53: {  	_ =	shalt  }
0x54: {  	_ =	shalt  }
0x55: {  	_ =	shalt  }
0x56: {  	_ =	shalt  }
0x57: {  	_ =	shalt  }
0x58: {  	_ =	shalt  }
0x59: {  	_ =	shalt  }
0x5a: {  	_ =	shalt  }
0x5b: {  	_ =	shalt  }
0x5c: {  	_ =	shalt  }
0x5d: {  	_ =	shalt  }
0x5e: {  	_ =	shalt  }
0x5f: {  	_ =	shalt  }
0x60: {  	_ =	shalt  }
0x61: {  	_ =	shalt  }
0x62: {  	_ =	shalt  }
0x63: {  	_ =	shalt  }
0x64: {  	_ =	shalt  }
0x65: {  	_ =	shalt  }
0x66: {  	_ =	shalt  }
0x67: {  	_ =	shalt  }
0x68: {  	_ =	shalt  }
0x69: {  	_ =	shalt  }
0x6a: {  	_ =	shalt  }
0x6b: {  	_ =	shalt  }
0x6c: {  	_ =	shalt  }
0x6d: {  	_ =	shalt  }
0x6e: {  	_ =	shalt  }
0x6f: {  	_ =	shalt  }
0x70: {  	_ =	shalt  }
0x71: {  	_ =	shalt  }
0x72: {  	_ =	shalt  }
0x73: {  	_ =	shalt  }
0x74: {  	_ =	shalt  }
0x75: {  	_ =	shalt  }
0x76: {  	_ =	shalt  }
0x77: {  	_ =	shalt  }
0x78: {  	_ =	shalt  }
0x79: {  	_ =	shalt  }
0x7a: {  	_ =	shalt  }
0x7b: {  	_ =	shalt  }
0x7c: {  	_ =	shalt  }
0x7d: {  	_ =	shalt  }
0x7e: {  	_ =	shalt  }
0x7f: {  	_ =	shalt  }
0x80: {  	_ =	shalt  }
0x81: {  	_ =	shalt  }
0x82: {  	_ =	shalt  }
0x83: {  	_ =	shalt  }
0x84: {  	_ =	shalt  }
0x85: {  	_ =	shalt  }
0x86: {  	_ =	shalt  }
0x87: {  	_ =	shalt  }
.Lfunc_end0:
.L_simem_size_0:
called_computation_lowered:
.L_overlay_start_0:
0x88: {  	s2 =	sld [smem:$0x3FD9]  }
0x89: {  	s3 =	sld [smem:$0x3FFE];
	_ =	sdelay $0x1  }
0x8a: {  	s1 =	srdreg.scid  }
0x8b: {  	s0 =	sand.u32 $0x1, s1  }
0x8c: {  	s16 =	sshll.u32 s0, $0xA;
	s2 =	sadd.s32 s3, s2  }
0x8d: {  	s2 =	sadd.s32 s2, s16  }
0x8e: {  	[smem:$0x3FBD] =	sst s2  }
0x8f: {  	_ = 	snop  }
0x90: {  	(tm) =	ssettm $0x1  }
0x91: {  	s17 =	sld [smem:$0x3FFB];
	_ =	sdelay $0x3  }
0x92: {  	_ =	strace s17  }
0x93: {  	s2 =	sld [smem:$0x3FFC];
	_ =	sdelay $0x3  }
0x94: {  	_ =	strace s2  }
0x95: {  	s2 =	sld [smem:$0x3FFD];
	_ =	sdelay $0x3  }
0x96: {  	_ =	strace s2  }
0x97: {  	_ =	strace $0x8FFFFFFF  }
0x98: {  	s18 =	sld [smem:$0x3FDB];
	_ =	sdelay $0x1  }
0x99: {  	s19 =	simm.s32 $_scs_section_size  }
0x9a: {  	s4 =	simm.s32 $_size__tile_overlayer_lowered;
	s5 =	simm.s32 $_tile_overlayer_lowered  }
0x9b: {  	s22 =	simm.s32 $0x1BFF;
	s21 =	sshll.u32 s5, $0x1;
	s2 =	sadd.s32 s19, s18  }
0x9c: {  	s6 =	simm.s32 $0x0;
	s20 =	sshll.u32 s4, $0x1;
	s4 =	sadd.s32 s21, s2  }
0x9d: {  	[timem:s6], [sflag:s22] =	dma.local [hbm:s4], s20  }
0x9e: {  	_ =	swait.ge [sflag:s22], s20  }
0x9f: {  	s3 =	ssub.s32 $0x0, s20;
	[sflag:s22] =	ssyncset.done $0x0  }
0xa0: {  	[sflag:s22] =	ssyncadd.s32 s3;
	_ =	sdelay $0x1  }
0xa1: {  	s23 =	simm.s32 $0x1B8B  }
0xa2: {  	_ =	swait.ge [sflag:s23], $0x1  }
0xa3: {  	[sflag:s23] =	ssyncset.done $0x0  }
0xa4: {  	s25 =	simm.s32 $0x1B8E;
	s24 =	sld [smem:$0x3FFE];
	[sflag:s23] =	ssyncadd.s32 $0xFFFFFFFF  }
0xa5: {  	s26 =	simm.s32 $execute0_lowered;
	[smem:$0x3FD2] =	sst s25  }
0xa6: {  	s4 =	sshll.u32 s26, $0x1;
	_ =	strace $0x80000046;
	[dreg:$0x1] =	wrdreg $0xFFFFFFFF  }
0xa7: {  	s28 =	simm.s32 $_size_execute0_lowered;
	s2 =	sadd.s32 s2, s4;
	[dreg:$0x0] =	wrdreg $0x0  }
0xa8: {  	s4 =	sshll.u32 s28, $0x1;
	[dreg:$0x2] =	wrdreg s2  }
0xa9: {  	[dreg:$0x3] =	wrdreg s4  }
0xaa: {  	[dreg:$0x4] =	wrdreg $0xC0  }
0xab: {  	_ =	task [dreg:s6], $0x5FFFF  }
0xac: {  	[dreg:$0x1] =	wrdreg $0xFFFFFFFF  }
0xad: {  	[dreg:$0x0] =	wrdreg $0x60  }
0xae: {  	[dreg:$0x2] =	wrdreg s24  }
0xaf: {  	[dreg:$0x3] =	wrdreg $0x1C000  }
0xb0: {  	[dreg:$0x4] =	wrdreg $0x9  }
0xb1: {  	_ =	task.clear_ibuf [dreg:s6], $0x5FFFF;
	_ =	strace $0x90000046  }
0xb2: {  	s29 =	simm.s32 $0x9;
	_ =	strace $0x80000048  }
0xb3: {  	_ =	swait.ge [sflag:s29], $0x1  }
0xb4: {  	[sflag:s29] =	ssyncadd.s32 $0xFFFFFFFF  }
0xb5: {  	_ =	strace $0x90000048  }
0xb6: {  	_ =	sfence  }
0xb7: {  	s30 =	sld [smem:$0x0];
	_ =	sdelay $0x2  }
0xb8: {  	s31 =	sshll.u32 s1, $0xD;
	s1 =	sshrl.u32 s1, $0x2  }
0xb9: {  	s3 =	sand.u32 $0x4000, s31;
	s1 =	sadd.s32 s1, s30  }
0xba: {  	s0 =	sor.u32 s3, s0;
	s1 =	sshll.u32 s1, $0x11  }
0xbb: {  	s0 =	sor.u32 s1, s0  }
0xbc: {  	s0 =	sadd.s32 $0x8F2B, s0  }
0xbd: {  	[sflag:s0] =	ssyncadd.remote.s32 $0x1  }
0xbe: {  	_ =	sfence.sel $0xFFFF  }
0xbf: {  	[dreg:$0x0] =	wrdreg $0xFFFFFFFF;
	(pc) =	sbr.abs _section_cstart, $3  }
0xc0: {  	[dreg:$0x1] =	wrdreg $0xFFFFFFFF  }
0xc1: {  	_ =	task.clear_ibuf [dreg:s6], $0x2FFFF;
	_ =	strace $0x9FFFFFFF  }
0xc2: {  	(tm) =	ssettm $0x7FFFFFFF  }
0xc3: {  	_ =	shalt  }
tec
execute0_lowered:
.L_overlay_start_1:
0x0: {  	(tag) =	ssettag $0x1  }
0x1: {  	s5 =	rddreg [dreg:$0x0]  }
0x2: {  	s0 =	srdreg.scid;
	s2 =	rddreg [dreg:$0x1]  }
0x3: {  	s3 =	simm.s32 $0x0;
	s12 =	simm.s32 $0x1;
	s4 =	sand.u32 $0x1, s0  }
0x4: {  	s13 =	simm.s32 $0x800;
	s0 =	stileid.u32;
	s7 =	smul.u32 $0x28000, s4  }
0x5: {  	s14 =	simm.s32 $0x80;
	s17 =	simm.s32 $0x0;
	s8 =	smul.u32 $0x2800, s0  }
0x6: {  	[smem:$0x7FF] =	sst s3;
	s1 =	sshll.u32 s4, $0x4;
	s9 =	smul.u32 $0xA000, s0  }
0x7: {  	s4 =	ssub.s32 $0x2, s4;
	s15 =	sshll.u32 s0, $0x6;
	s1 =	sor.u32 s0, s1  }
0x8: {  	s10 =	sshrl.u32 s4, $0x1;
	s15 =	sor.u32 $0x1C01, s15;
	s6 =	smul.u32 $0x280, s1  }
0x9: {  	s1 =	rddreg [dreg:$0x2];
	_ =	strace $0x80000047;
	s7 =	sadd.s32 s8, s7  }
0xa: {  	s9 =	sshrl.u32 s9, $0x2;
	s10 =	ssub.s32 s4, s10;
	s16 =	sadd.s32 s8, s2  }
0xb: {  	s7 =	sshrl.u32 s7, $0x3;
	s4 =	sadd.s32 s9, s2;
	s16 =	sshrl.u32 s16, $0x3  }
0xc: {  	s6 =	sadd.s32 s6, s5;
	s7 =	sadd.s32 s7, s5;
	s8 =	sadd.s32 $0x800, s4  }
0xd: {  	s9 =	sadd.s32 $0x1000, s4;
	s11 =	sadd.s32 $0x2000, s4;
	s5 =	sadd.s32 $0x1400, s6  }
0xe: {  	v0 =	vimm.f32 $0.0e+00;
	v1 =	vimm.f32 $1.000000000e+00;
	s6 =	sadd.s32 $0x6400, s7;
	s7 =	smax.u32 s10, $0x1;
	s10 =	sadd.s32 $0x1800, s4  }
.LBB2_1:
0xf: {  	s18 =	simm.s32 $0x40;
	s19 =	simm.s32 $0x0  }
.LBB2_2:
0x10: {  	p0 =	sne.s32 s18, $0x1FC0;
	[tilespmem:s19+$0x0] =	vst v0;
	s19 =	smov.u32 s18;
	s18 =	sadd.s32 $0x40, s18  }
.Ltmp0:
0x11: {  	(pc) =	sbr.rel @p0 .LBB2_2-.Ltmp0, $2  }
0x12: {  	_ =	sdelay $0x2  }
0x13: {  	s19 =	sshra.s32 s19, $0x2  }
0x14: {  	[tilespmem:s19+$0x0] =	vst v0;
	s18 =	simm.s32 $0x0  }
0x15: {  	[spmem:s4] =	stream.linear.scatter [tilespmem:s18], [sflag:$0x1], $0x800, $0x38;
	[tilespmem:$0x4400] =	vst v63  }
0x16: {  	_ =	swait.ge [sflag:s12], $0x800  }
0x17: {  	[sflag:s12] =	ssyncset.done $0x0  }
0x18: {  	[sflag:s12] =	ssyncadd.s32 $0xFFFFF800  }
0x19: {  	[spmem:s8] =	stream.linear.scatter [tilespmem:s18], [sflag:$0x1], $0x800, $0x38;
	[tilespmem:$0x4400] =	vst v63  }
0x1a: {  	_ =	swait.ge [sflag:s12], $0x800  }
0x1b: {  	[sflag:s12] =	ssyncset.done $0x0  }
0x1c: {  	[sflag:s12] =	ssyncadd.s32 $0xFFFFF800  }
0x1d: {  	[spmem:s9] =	stream.linear.scatter [tilespmem:s18], [sflag:$0x1], $0x800, $0x38;
	[tilespmem:$0x4400] =	vst v63  }
0x1e: {  	_ =	swait.ge [sflag:s12], $0x800  }
0x1f: {  	[sflag:s12] =	ssyncset.done $0x0  }
0x20: {  	[sflag:s12] =	ssyncadd.s32 $0xFFFFF800  }
0x21: {  	[spmem:s10] =	stream.linear.scatter [tilespmem:s18], [sflag:$0x1], $0x800, $0x38;
	[tilespmem:$0x4400] =	vst v63  }
0x22: {  	_ =	swait.ge [sflag:s12], $0x800  }
0x23: {  	[sflag:s12] =	ssyncset.done $0x0  }
0x24: {  	[sflag:s12] =	ssyncadd.s32 $0xFFFFF800  }
0x25: {  	[spmem:s11] =	stream.linear.scatter [tilespmem:s18], [sflag:$0x1], $0x800, $0x38;
	[tilespmem:$0x4400] =	vst v63  }
0x26: {  	_ =	swait.ge [sflag:s12], $0x800  }
0x27: {  	[sflag:s12] =	ssyncset.done $0x0  }
0x28: {  	s19 =	simm.s32 $0x0;
	s18 =	simm.s32 $0x40;
	[sflag:s12] =	ssyncadd.s32 $0xFFFFF800  }
.LBB2_4:
0x29: {  	p0 =	sne.s32 s18, $0x1FC0;
	[tilespmem:s19+$0x0] =	vst v1;
	s19 =	smov.u32 s18;
	s18 =	sadd.s32 $0x40, s18  }
.Ltmp1:
0x2a: {  	(pc) =	sbr.rel @p0 .LBB2_4-.Ltmp1, $2  }
0x2b: {  	_ =	sdelay $0x2  }
0x2c: {  	s19 =	sshra.s32 s19, $0x2  }
0x2d: {  	[tilespmem:s19+$0x0] =	vst v1;
	s18 =	simm.s32 $0x0  }
0x2e: {  	[tilespmem:s13], [sflag:$0x1] =	stream.linear.gather [hbm4b:s5+s18], $0x1400, $0x38;
	[tilespmem:$0x4400] =	vst v63  }
0x2f: {  	_ =	swait.ge [sflag:s12], $0x1400  }
0x30: {  	[sflag:s12] =	ssyncset.done $0x0  }
0x31: {  	[sflag:s12] =	ssyncadd.s32 $0xFFFFEC00  }
0x32: {  	s31 =	simm.s32 $0x800;
	[bflag:$0x0] =	sbarrier.arrive $0xFFFF  }
0x33: {  	[spmem:s2] =	stream.indirect.scatter.add.f32 [tilespmem:s3], [sflag:$0x1], $0x10, s31, s14, $0xb8;
	[tilespmem:$0x4400] =	vst v63  }
0x34: {  	s18 =	simm.s32 $0x200;
	_ =	swait.ge [sflag:s12], $0x800  }
.LBB2_6:
0x35: {  	s19 =	sshra.s32 s18, $0x2;
	[sflag:s12] =	ssyncset.done $0x0;
	p0 =	sne.s32 s18, $0x4E00  }
.Ltmp2:
0x36: {  	s19 =	sadd.s32 $0x800, s19;
	[sflag:s12] =	ssyncadd.s32 $0xFFFFF800;
	(pc) =	sbr.rel @p0 .LBB2_6-.Ltmp2, $3  }
0x37: {  	[spmem:s2] =	stream.indirect.scatter.add.f32 [tilespmem:s3], [sflag:$0x1], $0x10, s19, s14, $0xb8;
	[tilespmem:$0x4400] =	vst v63  }
0x38: {  	s18 =	sadd.s32 $0x200, s18;
	_ =	sdelay $0x1  }
0x39: {  	_ =	swait.ge [sflag:s12], $0x800  }
0x3a: {  	[sflag:s12] =	ssyncset.done $0x0;
	s17 =	sadd.s32 $0x1, s17  }
0x3b: {  	[sflag:s12] =	ssyncadd.s32 $0xFFFFF800;
	p0 =	sne.s32 s17, s7  }
.Ltmp3:
0x3c: {  	[bflag:$0x0] =	sbarrier.arrive $0xFFFF;
	(pc) =	sbr.rel @p0 .LBB2_1-.Ltmp3, $4  }
0x3d: {  	[hbm:s6], [sflag:s15] =	dma.local [spmem:s16], $0x500  }
0x3e: {  	_ =	swait.ge [sflag:s12], $0x500  }
0x3f: {  	[sflag:s12] =	ssyncset.done $0x0  }
0x40: {  	[sflag:s12] =	ssyncadd.s32 $0xFFFFFB00  }
0x41: {  	_ =	sfence.sel $0x180000  }
0x42: {  	[bflag:$0x0] =	sbarrier.arrive $0xFFFF  }
0x43: {  	p0 =	sne.s32 s0, $0x0;
	_ =	strace $0x90000047  }
0x44: {  	s0 =	sadd.s32 @!p0 $0x100000, s1;
	[bflag:$0x2] =	sbarrier.arrive $0xFFFF  }
0x45: {  	[sflag:s0] =	ssyncadd.tile.s32 @!p0 $0x1;
	_ =	shalt  }
.Lfunc_end2:
_tile_overlayer_lowered:
.L_overlay_start_2:
0x46: {  	(tag) =	ssettag $0x2  }
0x47: {  	s0 =	rddreg [dreg:$0x0];
	s2 =	stileid.u32  }
0x48: {  	s1 =	rddreg [dreg:$0x1];
	p0 =	sne.s32 s2, $0x0  }
0x49: {  	s3 =	rddreg [dreg:$0x2];
	[bflag:$0x3] =	sbarrier.arrive $0xFFFF;
	s2 =	simm.s32 @!p0 $0x1C01  }
0x4a: {  	[timem:s3], [sflag:s2] =	dma.local @!p0 [hbm:s0], s1  }
0x4b: {  	s0 =	simm.s32 @!p0 $0x1  }
0x4c: {  	_ =	swait.ge @!p0 [sflag:s0], s1  }
0x4d: {  	s1 =	ssub.s32 @!p0 $0x0, s1;
	[sflag:s0] =	ssyncset.done @!p0 $0x0  }
0x4e: {  	[sflag:s0] =	ssyncadd.s32 @!p0 s1  }
0x4f: {  	[bflag:$0x3] =	sbarrier.arrive $0xFFFF  }
0x50: {  	_ =	shalt  }

// kernel: kernel.15.cloned.1.call-start
scs
__scs_entry_jumppad:
0x0: {  	(pc) =	sbr.rel $0x88, $3  }
0x1: {  	(tag) =	ssettag $0x0;
	lr =	simm.s32 $0x1  }
0x2: {  	[smem:$0x3F96] =	sst lr;
	_ =	strace $0xD0000000  }
0x3: {  	_ = 	snop  }
0x4: {  	_ = 	snop  }
0x5: {  	_ = 	snop  }
0x6: {  	_ = 	snop  }
0x7: {  	_ = 	snop  }
__scs_overlays_trampoline_lowered:
0x8: {  	[smem:$0x3FA5] =	sst s0  }
0x9: {  	[smem:$0x3FA6] =	sst s1  }
0xa: {  	[smem:$0x3FA7] =	sst s2  }
0xb: {  	[smem:$0x3FA8] =	sst s3  }
0xc: {  	[smem:$0x3FA9] =	sst s4  }
0xd: {  	[smem:$0x3FAA] =	sst s5  }
0xe: {  	[smem:$0x3FAB] =	sst s6  }
0xf: {  	[smem:$0x3FAC] =	sst s7  }
0x10: {  	[smem:$0x3FAD] =	sst s8  }
0x11: {  	[smem:$0x3FAE] =	sst s9;
	s0 =	simm.s32 @!p0 $0x0  }
0x12: {  	s1 =	sld [smem:$0x3F94];
	s0 =	simm.s32 @p0 $0x1  }
0x13: {  	[smem:$0x3FAF] =	sst s0;
	s0 =	simm.s32 @!p1 $0x0  }
0x14: {  	s2 =	sld [smem:$0x3F93];
	s0 =	simm.s32 @p1 $0x1  }
0x15: {  	[smem:$0x3FB0] =	sst s0;
	s0 =	simm.s32 @!p2 $0x0  }
0x16: {  	s3 =	sld [smem:$0x3FDB];
	s0 =	simm.s32 @p2 $0x1  }
0x17: {  	s4 =	simm.s32 $0x1BF5;
	[smem:$0x3FB2] =	sst s0  }
0x18: {  	s0 =	sld [smem:$0x3F95];
	_ =	swait.ge [sflag:s4], $0x0  }
0x19: {  	s7 =	sld [smem:$0x3F96]  }
0x1a: {  	s8 =	sadd.s32 $0xFFFFE003, lr  }
0x1b: {  	s9 =	sadd.s32 $0xFFFFFEF7, lr;
	s5 =	simm.s32 $0xFFFFFFFF;
	p2 =	slt.u32 s8, $0xFFFFF086  }
0x1c: {  	p1 =	slt.u32 s9, $0xF7A;
	s5 =	simm.s32 @!p2 $0x0  }
0x1d: {  	s5 =	simm.s32 @p1 $0x1;
	p0 =	seq.s32 s7, s2  }
0x1e: {  	s7 =	smul.u32 @!p0 $0xF7A, s2;
	p2 =	seq.s32 @!p0 s5, $0x0  }
0x1f: {  	s9 =	smul.u32 $0xF7A, s1;
	s8 =	simm.s32 @!p0 $0x1BF5;
	p2 =	por !p2, p0  }
0x20: {  	[sflag:s8] =	ssyncset.s32 @!p0 $0xFFFFF086;
	s6 =	sadd.s32 @!p0 s3, s7;
	s7 =	simm.s32 @!p0 $0x108  }
0x21: {  	s3 =	sadd.s32 s3, s9;
	s6 =	sadd.s32 @!p0 $0x88, s6;
	s7 =	simm.s32 @p2 $0x1082  }
0x22: {  	[simem:s7], [sflag:s8] =	dma.local @!p0 [hbm:s6], $0xF7A  }
0x23: {  	s9 =	sor.u32 $0xD0000000, s2;
	s6 =	simm.s32 $0x108;
	_ =	swait.ge @!p0 [sflag:s8], $0x0  }
0x24: {  	s3 =	sadd.s32 $0x88, s3;
	s6 =	simm.s32 @!p1 $0x1082;
	[sflag:s4] =	ssyncset.s32 $0xFFFFF086  }
0x25: {  	[simem:s6], [sflag:s4] =	dma.local [hbm:s3], $0xF7A  }
0x26: {  	[smem:$0x3F96] =	sst s1;
	(tag) =	ssettag s2;
	_ =	strace s9  }
0x27: {  	s1 =	sld [smem:$0x3FA6]  }
0x28: {  	s2 =	sld [smem:$0x3FA7]  }
0x29: {  	s4 =	sld [smem:$0x3FA9]  }
0x2a: {  	p0 =	seq.s32 s5, $0x0;
	s5 =	sld [smem:$0x3FAA]  }
0x2b: {  	s6 =	sld [smem:$0x3FAB]  }
0x2c: {  	s7 =	sld [smem:$0x3FAC]  }
0x2d: {  	s3 =	simm.s32 $0x108;
	s8 =	sld [smem:$0x3FAD]  }
0x2e: {  	s3 =	simm.s32 @!p0 $0x1082;
	s9 =	sld [smem:$0x3FAE]  }
0x2f: {  	lr =	sadd.s32 s0, s3;
	s0 =	sld [smem:$0x3FA5]  }
0x30: {  	s3 =	sld [smem:$0x3FA8]  }
0x31: {  	[smem:$0x3FB1] =	sst s10  }
0x32: {  	s10 =	sld [smem:$0x3FAF];
	_ =	sdelay $0x3  }
0x33: {  	p0 =	seq.s32 s10, $0x1;
	s10 =	sld [smem:$0x3FB1];
	_ =	sdelay $0x3  }
0x34: {  	[smem:$0x3FB1] =	sst s10  }
0x35: {  	s10 =	sld [smem:$0x3FB0];
	_ =	sdelay $0x3  }
0x36: {  	p1 =	seq.s32 s10, $0x1;
	s10 =	sld [smem:$0x3FB1];
	_ =	sdelay $0x3  }
0x37: {  	[smem:$0x3FB1] =	sst s10  }
0x38: {  	s10 =	sld [smem:$0x3FB2]  }
0x39: {  	_ = 	snop;
	(pc) =	sbr.ind lr, $3  }
0x3a: {  	_ = 	snop  }
0x3b: {  	_ = 	snop  }
0x3c: {  	p2 =	seq.s32 s10, $0x1;
	s10 =	sld [smem:$0x3FB1]  }
0x3d: {  	_ =	shalt  }
0x3e: {  	_ =	shalt  }
0x3f: {  	_ =	shalt  }
0x40: {  	_ =	shalt  }
0x41: {  	_ =	shalt  }
0x42: {  	_ =	shalt  }
0x43: {  	_ =	shalt  }
0x44: {  	_ =	shalt  }
0x45: {  	_ =	shalt  }
0x46: {  	_ =	shalt  }
0x47: {  	_ =	shalt  }
0x48: {  	_ =	shalt  }
0x49: {  	_ =	shalt  }
0x4a: {  	_ =	shalt  }
0x4b: {  	_ =	shalt  }
0x4c: {  	_ =	shalt  }
0x4d: {  	_ =	shalt  }
0x4e: {  	_ =	shalt  }
0x4f: {  	_ =	shalt  }
0x50: {  	_ =	shalt  }
0x51: {  	_ =	shalt  }
0x52: {  	_ =	shalt  }
0x53: {  	_ =	shalt  }
0x54: {  	_ =	shalt  }
0x55: {  	_ =	shalt  }
0x56: {  	_ =	shalt  }
0x57: {  	_ =	shalt  }
0x58: {  	_ =	shalt  }
0x59: {  	_ =	shalt  }
0x5a: {  	_ =	shalt  }
0x5b: {  	_ =	shalt  }
0x5c: {  	_ =	shalt  }
0x5d: {  	_ =	shalt  }
0x5e: {  	_ =	shalt  }
0x5f: {  	_ =	shalt  }
0x60: {  	_ =	shalt  }
0x61: {  	_ =	shalt  }
0x62: {  	_ =	shalt  }
0x63: {  	_ =	shalt  }
0x64: {  	_ =	shalt  }
0x65: {  	_ =	shalt  }
0x66: {  	_ =	shalt  }
0x67: {  	_ =	shalt  }
0x68: {  	_ =	shalt  }
0x69: {  	_ =	shalt  }
0x6a: {  	_ =	shalt  }
0x6b: {  	_ =	shalt  }
0x6c: {  	_ =	shalt  }
0x6d: {  	_ =	shalt  }
0x6e: {  	_ =	shalt  }
0x6f: {  	_ =	shalt  }
0x70: {  	_ =	shalt  }
0x71: {  	_ =	shalt  }
0x72: {  	_ =	shalt  }
0x73: {  	_ =	shalt  }
0x74: {  	_ =	shalt  }
0x75: {  	_ =	shalt  }
0x76: {  	_ =	shalt  }
0x77: {  	_ =	shalt  }
0x78: {  	_ =	shalt  }
0x79: {  	_ =	shalt  }
0x7a: {  	_ =	shalt  }
0x7b: {  	_ =	shalt  }
0x7c: {  	_ =	shalt  }
0x7d: {  	_ =	shalt  }
0x7e: {  	_ =	shalt  }
0x7f: {  	_ =	shalt  }
0x80: {  	_ =	shalt  }
0x81: {  	_ =	shalt  }
0x82: {  	_ =	shalt  }
0x83: {  	_ =	shalt  }
0x84: {  	_ =	shalt  }
0x85: {  	_ =	shalt  }
0x86: {  	_ =	shalt  }
0x87: {  	_ =	shalt  }
.Lfunc_end0:
.L_simem_size_0:
called_computation.1_lowered:
.L_overlay_start_0:
0x88: {  	s2 =	sld [smem:$0x3FD9]  }
0x89: {  	s3 =	sld [smem:$0x3FFE];
	_ =	sdelay $0x1  }
0x8a: {  	s1 =	srdreg.scid  }
0x8b: {  	s0 =	sand.u32 $0x1, s1  }
0x8c: {  	s16 =	sshll.u32 s0, $0xA;
	s2 =	sadd.s32 s3, s2  }
0x8d: {  	s2 =	sadd.s32 s2, s16  }
0x8e: {  	[smem:$0x3FBD] =	sst s2  }
0x8f: {  	_ = 	snop  }
0x90: {  	(tm) =	ssettm $0x1  }
0x91: {  	s17 =	sld [smem:$0x3FFB];
	_ =	sdelay $0x3  }
0x92: {  	_ =	strace s17  }
0x93: {  	s2 =	sld [smem:$0x3FFC];
	_ =	sdelay $0x3  }
0x94: {  	_ =	strace s2  }
0x95: {  	s2 =	sld [smem:$0x3FFD];
	_ =	sdelay $0x3  }
0x96: {  	_ =	strace s2  }
0x97: {  	_ =	strace $0x8FFFFFFF  }
0x98: {  	s18 =	sld [smem:$0x3FDB];
	_ =	sdelay $0x1  }
0x99: {  	s19 =	simm.s32 $_scs_section_size  }
0x9a: {  	s4 =	simm.s32 $_size__tile_overlayer_lowered;
	s5 =	simm.s32 $_tile_overlayer_lowered  }
0x9b: {  	s22 =	simm.s32 $0x1BFF;
	s21 =	sshll.u32 s5, $0x1;
	s2 =	sadd.s32 s19, s18  }
0x9c: {  	s6 =	simm.s32 $0x0;
	s20 =	sshll.u32 s4, $0x1;
	s4 =	sadd.s32 s21, s2  }
0x9d: {  	[timem:s6], [sflag:s22] =	dma.local [hbm:s4], s20  }
0x9e: {  	_ =	swait.ge [sflag:s22], s20  }
0x9f: {  	s3 =	ssub.s32 $0x0, s20;
	[sflag:s22] =	ssyncset.done $0x0  }
0xa0: {  	[sflag:s22] =	ssyncadd.s32 s3;
	_ =	sdelay $0x1  }
0xa1: {  	s23 =	simm.s32 $0x1B8B  }
0xa2: {  	_ =	swait.ge [sflag:s23], $0x1  }
0xa3: {  	[sflag:s23] =	ssyncset.done $0x0  }
0xa4: {  	s25 =	simm.s32 $0x1B8E;
	s24 =	sld [smem:$0x3FFE];
	[sflag:s23] =	ssyncadd.s32 $0xFFFFFFFF  }
0xa5: {  	s26 =	simm.s32 $execute0_lowered;
	[smem:$0x3FD2] =	sst s25  }
0xa6: {  	s4 =	sshll.u32 s26, $0x1;
	_ =	strace $0x80000049;
	[dreg:$0x1] =	wrdreg $0xFFFFFFFF  }
0xa7: {  	s28 =	simm.s32 $_size_execute0_lowered;
	s2 =	sadd.s32 s2, s4;
	[dreg:$0x0] =	wrdreg $0x0  }
0xa8: {  	s4 =	sshll.u32 s28, $0x1;
	[dreg:$0x2] =	wrdreg s2  }
0xa9: {  	[dreg:$0x3] =	wrdreg s4  }
0xaa: {  	[dreg:$0x4] =	wrdreg $0xC0  }
0xab: {  	_ =	task [dreg:s6], $0x5FFFF  }
0xac: {  	[dreg:$0x1] =	wrdreg $0xFFFFFFFF  }
0xad: {  	[dreg:$0x0] =	wrdreg $0x60  }
0xae: {  	[dreg:$0x2] =	wrdreg s24  }
0xaf: {  	[dreg:$0x3] =	wrdreg $0x70000  }
0xb0: {  	[dreg:$0x4] =	wrdreg $0x9  }
0xb1: {  	_ =	task.clear_ibuf [dreg:s6], $0x5FFFF;
	_ =	strace $0x90000049  }
0xb2: {  	s29 =	simm.s32 $0x9;
	_ =	strace $0x8000004B  }
0xb3: {  	_ =	swait.ge [sflag:s29], $0x1  }
0xb4: {  	[sflag:s29] =	ssyncadd.s32 $0xFFFFFFFF  }
0xb5: {  	_ =	strace $0x9000004B  }
0xb6: {  	_ =	sfence  }
0xb7: {  	s30 =	sld [smem:$0x0];
	_ =	sdelay $0x2  }
0xb8: {  	s31 =	sshll.u32 s1, $0xD;
	s1 =	sshrl.u32 s1, $0x2  }
0xb9: {  	s3 =	sand.u32 $0x4000, s31;
	s1 =	sadd.s32 s1, s30  }
0xba: {  	s0 =	sor.u32 s3, s0;
	s1 =	sshll.u32 s1, $0x11  }
0xbb: {  	s0 =	sor.u32 s1, s0  }
0xbc: {  	s0 =	sadd.s32 $0x8F2B, s0  }
0xbd: {  	[sflag:s0] =	ssyncadd.remote.s32 $0x1  }
0xbe: {  	_ =	sfence.sel $0xFFFF  }
0xbf: {  	[dreg:$0x0] =	wrdreg $0xFFFFFFFF;
	(pc) =	sbr.abs _section_cstart, $3  }
0xc0: {  	[dreg:$0x1] =	wrdreg $0xFFFFFFFF  }
0xc1: {  	_ =	task.clear_ibuf [dreg:s6], $0x2FFFF;
	_ =	strace $0x9FFFFFFF  }
0xc2: {  	(tm) =	ssettm $0x7FFFFFFF  }
0xc3: {  	_ =	shalt  }
tec
execute0_lowered:
.L_overlay_start_1:
0x0: {  	(tag) =	ssettag $0x1  }
0x1: {  	s4 =	rddreg [dreg:$0x0]  }
0x2: {  	s2 =	rddreg [dreg:$0x1]  }
0x3: {  	s0 =	rddreg [dreg:$0x2]  }
0x4: {  	s1 =	stileid.u32;
	s5 =	srdreg.scid;
	s3 =	simm.s32 $0x0  }
0x5: {  	s14 =	simm.s32 $0x80;
	s15 =	simm.s32 $0x5000;
	s16 =	simm.s32 $0x0  }
0x6: {  	s5 =	sand.u32 $0x1, s5;
	s6 =	smul.u32 $0xA000, s1;
	[smem:$0x7FF] =	sst s3  }
0x7: {  	s8 =	smul.u32 $0x500, s1;
	s9 =	sadd.s32 $0x15400, s4;
	s31 =	sshll.u32 s1, $0x6  }
0x8: {  	s7 =	smul.u32 $0xA0000, s5;
	_ =	strace $0x8000004A;
	s5 =	ssub.s32 $0x2, s5  }
0x9: {  	s8 =	sadd.s32 s8, s4;
	s11 =	sshrl.u32 s5, $0x1;
	s13 =	sadd.s32 s6, s2  }
0xa: {  	s10 =	sadd.s32 s6, s7;
	s11 =	ssub.s32 s5, s11;
	s5 =	sadd.s32 $0x1400, s8  }
0xb: {  	s7 =	sshrl.u32 s7, $0x3;
	s13 =	sshrl.u32 s13, $0x3;
	s10 =	sshrl.u32 s10, $0x3  }
0xc: {  	s7 =	sadd.s32 s9, s7;
	s12 =	sadd.s32 s10, s4;
	s4 =	sadd.s32 $0x10400, s8  }
0xd: {  	s6 =	sadd.s32 s9, s10;
	s9 =	smax.u32 s11, $0x1;
	s10 =	simm.s32 $0x1  }
0xe: {  	s11 =	simm.s32 $0x2800;
	s8 =	sadd.s32 $0x3D400, s12;
	s12 =	sor.u32 $0x1C01, s31  }
.LBB2_1:
0xf: {  	[tilespmem:s3], [sflag:$0x1] =	stream.linear.gather [hbm4b:s4+s3], $0x2800, $0x38;
	[tilespmem:$0x11000] =	vst v63  }
0x10: {  	_ =	swait.ge [sflag:s10], $0x2800  }
0x11: {  	[sflag:s10] =	ssyncset.done $0x0  }
0x12: {  	[sflag:s10] =	ssyncadd.s32 $0xFFFFD800  }
0x13: {  	[tilespmem:s11], [sflag:$0x1] =	stream.linear.gather [hbm4b:s5+s3], $0x2800, $0x38;
	[tilespmem:$0x11000] =	vst v63  }
0x14: {  	_ =	swait.ge [sflag:s10], $0x2800  }
0x15: {  	[sflag:s10] =	ssyncset.done $0x0  }
0x16: {  	[sflag:s10] =	ssyncadd.s32 $0xFFFFD800  }
0x17: {  	[spmem:s13], [sflag:s12] =	dma.local [hbm:s6], $0x1400  }
0x18: {  	_ =	swait.ge [sflag:s10], $0x1400  }
0x19: {  	[sflag:s10] =	ssyncset.done $0x0  }
0x1a: {  	[sflag:s10] =	ssyncadd.s32 $0xFFFFEC00  }
0x1b: {  	s17 =	simm.s32 $0x0;
	[bflag:$0x0] =	sbarrier.arrive $0xFFFF  }
0x1c: {  	[tilespmem:s15], [sflag:$0x1] =	stream.indirect.gather [hbm4b:s7+s14], $0x40, s17, s14, $0xb8;
	[tilespmem:$0x11000] =	vst v63  }
0x1d: {  	_ =	swait.ge [sflag:s10], $0x2000  }
0x1e: {  	[sflag:s10] =	ssyncset.done $0x0  }
0x1f: {  	s31 =	simm.s32 $0x2800;
	[sflag:s10] =	ssyncadd.s32 $0xFFFFE000  }
0x20: {  	[spmem:s2] =	stream.indirect.scatter.add.f32 [tilespmem:s15], [sflag:$0x1], $0x40, s31, s14, $0xb8;
	[tilespmem:$0x11000] =	vst v63  }
0x21: {  	_ =	swait.ge [sflag:s10], $0x2000  }
0x22: {  	s18 =	simm.s32 $0x400;
	s17 =	simm.s32 $0x200;
	[sflag:s10] =	ssyncset.done $0x0  }
.LBB2_2:
0x23: {  	s19 =	sshra.s32 s17, $0x2  }
0x24: {  	[sflag:s10] =	ssyncadd.s32 $0xFFFFE000;
	s17 =	smov.u32 s18;
	s20 =	sadd.s32 $0x200, s18  }
0x25: {  	[tilespmem:s15], [sflag:$0x1] =	stream.indirect.gather [hbm4b:s7+s14], $0x40, s19, s14, $0xb8;
	[tilespmem:$0x11000] =	vst v63  }
0x26: {  	p0 =	sne.s32 s18, $0x9E00;
	_ =	swait.ge [sflag:s10], $0x2000  }
.Ltmp0:
0x27: {  	[sflag:s10] =	ssyncset.done $0x0;
	(pc) =	sbr.rel @p0 .LBB2_2-.Ltmp0, $4  }
0x28: {  	s18 =	sadd.s32 $0x2800, s19;
	[sflag:s10] =	ssyncadd.s32 $0xFFFFE000  }
0x29: {  	[spmem:s2] =	stream.indirect.scatter.add.f32 [tilespmem:s15], [sflag:$0x1], $0x40, s18, s14, $0xb8;
	[tilespmem:$0x11000] =	vst v63  }
0x2a: {  	_ =	swait.ge [sflag:s10], $0x2000  }
0x2b: {  	s18 =	smov.u32 s20;
	[sflag:s10] =	ssyncset.done $0x0  }
0x2c: {  	s17 =	sshra.s32 s17, $0x2;
	[sflag:s10] =	ssyncadd.s32 $0xFFFFE000  }
0x2d: {  	[tilespmem:s15], [sflag:$0x1] =	stream.indirect.gather [hbm4b:s7+s14], $0x40, s17, s14, $0xb8;
	[tilespmem:$0x11000] =	vst v63  }
0x2e: {  	_ =	swait.ge [sflag:s10], $0x2000  }
0x2f: {  	[sflag:s10] =	ssyncset.done $0x0  }
0x30: {  	s17 =	sadd.s32 $0x2800, s17;
	[sflag:s10] =	ssyncadd.s32 $0xFFFFE000  }
0x31: {  	[spmem:s2] =	stream.indirect.scatter.add.f32 [tilespmem:s15], [sflag:$0x1], $0x40, s17, s14, $0xb8;
	[tilespmem:$0x11000] =	vst v63  }
0x32: {  	_ =	swait.ge [sflag:s10], $0x2000  }
0x33: {  	s16 =	sadd.s32 $0x1, s16;
	[sflag:s10] =	ssyncset.done $0x0  }
0x34: {  	p0 =	sne.s32 s16, s9;
	[sflag:s10] =	ssyncadd.s32 $0xFFFFE000  }
.Ltmp1:
0x35: {  	[bflag:$0x0] =	sbarrier.arrive $0xFFFF;
	(pc) =	sbr.rel @p0 .LBB2_1-.Ltmp1, $4  }
0x36: {  	[hbm:s8], [sflag:s12] =	dma.local [spmem:s13], $0x1400  }
0x37: {  	_ =	swait.ge [sflag:s10], $0x1400  }
0x38: {  	[sflag:s10] =	ssyncset.done $0x0  }
0x39: {  	[sflag:s10] =	ssyncadd.s32 $0xFFFFEC00  }
0x3a: {  	_ =	sfence.sel $0x180000  }
0x3b: {  	[bflag:$0x0] =	sbarrier.arrive $0xFFFF  }
0x3c: {  	p0 =	sne.s32 s1, $0x0;
	_ =	strace $0x9000004A  }
0x3d: {  	s0 =	sadd.s32 @!p0 $0x100000, s0;
	[bflag:$0x2] =	sbarrier.arrive $0xFFFF  }
0x3e: {  	[sflag:s0] =	ssyncadd.tile.s32 @!p0 $0x1;
	_ =	shalt  }
.Lfunc_end2:
_tile_overlayer_lowered:
.L_overlay_start_2:
0x3f: {  	(tag) =	ssettag $0x2  }
0x40: {  	s0 =	rddreg [dreg:$0x0];
	s2 =	stileid.u32  }
0x41: {  	s1 =	rddreg [dreg:$0x1];
	p0 =	sne.s32 s2, $0x0  }
0x42: {  	s3 =	rddreg [dreg:$0x2];
	[bflag:$0x3] =	sbarrier.arrive $0xFFFF;
	s2 =	simm.s32 @!p0 $0x1C01  }
0x43: {  	[timem:s3], [sflag:s2] =	dma.local @!p0 [hbm:s0], s1  }
0x44: {  	s0 =	simm.s32 @!p0 $0x1  }
0x45: {  	_ =	swait.ge @!p0 [sflag:s0], s1  }
0x46: {  	s1 =	ssub.s32 @!p0 $0x0, s1;
	[sflag:s0] =	ssyncset.done @!p0 $0x0  }
0x47: {  	[sflag:s0] =	ssyncadd.s32 @!p0 s1  }
0x48: {  	[bflag:$0x3] =	sbarrier.arrive $0xFFFF  }
0x49: {  	_ =	shalt  }

// kernel: kernel.18.cloned.1.call-start
scs
__scs_entry_jumppad:
0x0: {  	(pc) =	sbr.rel $0x88, $3  }
0x1: {  	(tag) =	ssettag $0x0;
	lr =	simm.s32 $0x1  }
0x2: {  	[smem:$0x3F96] =	sst lr;
	_ =	strace $0xD0000000  }
0x3: {  	_ = 	snop  }
0x4: {  	_ = 	snop  }
0x5: {  	_ = 	snop  }
0x6: {  	_ = 	snop  }
0x7: {  	_ = 	snop  }
__scs_overlays_trampoline_lowered:
0x8: {  	[smem:$0x3FA5] =	sst s0  }
0x9: {  	[smem:$0x3FA6] =	sst s1  }
0xa: {  	[smem:$0x3FA7] =	sst s2  }
0xb: {  	[smem:$0x3FA8] =	sst s3  }
0xc: {  	[smem:$0x3FA9] =	sst s4  }
0xd: {  	[smem:$0x3FAA] =	sst s5  }
0xe: {  	[smem:$0x3FAB] =	sst s6  }
0xf: {  	[smem:$0x3FAC] =	sst s7  }
0x10: {  	[smem:$0x3FAD] =	sst s8  }
0x11: {  	[smem:$0x3FAE] =	sst s9;
	s0 =	simm.s32 @!p0 $0x0  }
0x12: {  	s1 =	sld [smem:$0x3F94];
	s0 =	simm.s32 @p0 $0x1  }
0x13: {  	[smem:$0x3FAF] =	sst s0;
	s0 =	simm.s32 @!p1 $0x0  }
0x14: {  	s2 =	sld [smem:$0x3F93];
	s0 =	simm.s32 @p1 $0x1  }
0x15: {  	[smem:$0x3FB0] =	sst s0;
	s0 =	simm.s32 @!p2 $0x0  }
0x16: {  	s3 =	sld [smem:$0x3FDB];
	s0 =	simm.s32 @p2 $0x1  }
0x17: {  	s4 =	simm.s32 $0x1BF5;
	[smem:$0x3FB2] =	sst s0  }
0x18: {  	s0 =	sld [smem:$0x3F95];
	_ =	swait.ge [sflag:s4], $0x0  }
0x19: {  	s7 =	sld [smem:$0x3F96]  }
0x1a: {  	s8 =	sadd.s32 $0xFFFFE003, lr  }
0x1b: {  	s9 =	sadd.s32 $0xFFFFFEF7, lr;
	s5 =	simm.s32 $0xFFFFFFFF;
	p2 =	slt.u32 s8, $0xFFFFF086  }
0x1c: {  	p1 =	slt.u32 s9, $0xF7A;
	s5 =	simm.s32 @!p2 $0x0  }
0x1d: {  	s5 =	simm.s32 @p1 $0x1;
	p0 =	seq.s32 s7, s2  }
0x1e: {  	s7 =	smul.u32 @!p0 $0xF7A, s2;
	p2 =	seq.s32 @!p0 s5, $0x0  }
0x1f: {  	s9 =	smul.u32 $0xF7A, s1;
	s8 =	simm.s32 @!p0 $0x1BF5;
	p2 =	por !p2, p0  }
0x20: {  	[sflag:s8] =	ssyncset.s32 @!p0 $0xFFFFF086;
	s6 =	sadd.s32 @!p0 s3, s7;
	s7 =	simm.s32 @!p0 $0x108  }
0x21: {  	s3 =	sadd.s32 s3, s9;
	s6 =	sadd.s32 @!p0 $0x88, s6;
	s7 =	simm.s32 @p2 $0x1082  }
0x22: {  	[simem:s7], [sflag:s8] =	dma.local @!p0 [hbm:s6], $0xF7A  }
0x23: {  	s9 =	sor.u32 $0xD0000000, s2;
	s6 =	simm.s32 $0x108;
	_ =	swait.ge @!p0 [sflag:s8], $0x0  }
0x24: {  	s3 =	sadd.s32 $0x88, s3;
	s6 =	simm.s32 @!p1 $0x1082;
	[sflag:s4] =	ssyncset.s32 $0xFFFFF086  }
0x25: {  	[simem:s6], [sflag:s4] =	dma.local [hbm:s3], $0xF7A  }
0x26: {  	[smem:$0x3F96] =	sst s1;
	(tag) =	ssettag s2;
	_ =	strace s9  }
0x27: {  	s1 =	sld [smem:$0x3FA6]  }
0x28: {  	s2 =	sld [smem:$0x3FA7]  }
0x29: {  	s4 =	sld [smem:$0x3FA9]  }
0x2a: {  	p0 =	seq.s32 s5, $0x0;
	s5 =	sld [smem:$0x3FAA]  }
0x2b: {  	s6 =	sld [smem:$0x3FAB]  }
0x2c: {  	s7 =	sld [smem:$0x3FAC]  }
0x2d: {  	s3 =	simm.s32 $0x108;
	s8 =	sld [smem:$0x3FAD]  }
0x2e: {  	s3 =	simm.s32 @!p0 $0x1082;
	s9 =	sld [smem:$0x3FAE]  }
0x2f: {  	lr =	sadd.s32 s0, s3;
	s0 =	sld [smem:$0x3FA5]  }
0x30: {  	s3 =	sld [smem:$0x3FA8]  }
0x31: {  	[smem:$0x3FB1] =	sst s10  }
0x32: {  	s10 =	sld [smem:$0x3FAF];
	_ =	sdelay $0x3  }
0x33: {  	p0 =	seq.s32 s10, $0x1;
	s10 =	sld [smem:$0x3FB1];
	_ =	sdelay $0x3  }
0x34: {  	[smem:$0x3FB1] =	sst s10  }
0x35: {  	s10 =	sld [smem:$0x3FB0];
	_ =	sdelay $0x3  }
0x36: {  	p1 =	seq.s32 s10, $0x1;
	s10 =	sld [smem:$0x3FB1];
	_ =	sdelay $0x3  }
0x37: {  	[smem:$0x3FB1] =	sst s10  }
0x38: {  	s10 =	sld [smem:$0x3FB2]  }
0x39: {  	_ = 	snop;
	(pc) =	sbr.ind lr, $3  }
0x3a: {  	_ = 	snop  }
0x3b: {  	_ = 	snop  }
0x3c: {  	p2 =	seq.s32 s10, $0x1;
	s10 =	sld [smem:$0x3FB1]  }
0x3d: {  	_ =	shalt  }
0x3e: {  	_ =	shalt  }
0x3f: {  	_ =	shalt  }
0x40: {  	_ =	shalt  }
0x41: {  	_ =	shalt  }
0x42: {  	_ =	shalt  }
0x43: {  	_ =	shalt  }
0x44: {  	_ =	shalt  }
0x45: {  	_ =	shalt  }
0x46: {  	_ =	shalt  }
0x47: {  	_ =	shalt  }
0x48: {  	_ =	shalt  }
0x49: {  	_ =	shalt  }
0x4a: {  	_ =	shalt  }
0x4b: {  	_ =	shalt  }
0x4c: {  	_ =	shalt  }
0x4d: {  	_ =	shalt  }
0x4e: {  	_ =	shalt  }
0x4f: {  	_ =	shalt  }
0x50: {  	_ =	shalt  }
0x51: {  	_ =	shalt  }
0x52: {  	_ =	shalt  }
0x53: {  	_ =	shalt  }
0x54: {  	_ =	shalt  }
0x55: {  	_ =	shalt  }
0x56: {  	_ =	shalt  }
0x57: {  	_ =	shalt  }
0x58: {  	_ =	shalt  }
0x59: {  	_ =	shalt  }
0x5a: {  	_ =	shalt  }
0x5b: {  	_ =	shalt  }
0x5c: {  	_ =	shalt  }
0x5d: {  	_ =	shalt  }
0x5e: {  	_ =	shalt  }
0x5f: {  	_ =	shalt  }
0x60: {  	_ =	shalt  }
0x61: {  	_ =	shalt  }
0x62: {  	_ =	shalt  }
0x63: {  	_ =	shalt  }
0x64: {  	_ =	shalt  }
0x65: {  	_ =	shalt  }
0x66: {  	_ =	shalt  }
0x67: {  	_ =	shalt  }
0x68: {  	_ =	shalt  }
0x69: {  	_ =	shalt  }
0x6a: {  	_ =	shalt  }
0x6b: {  	_ =	shalt  }
0x6c: {  	_ =	shalt  }
0x6d: {  	_ =	shalt  }
0x6e: {  	_ =	shalt  }
0x6f: {  	_ =	shalt  }
0x70: {  	_ =	shalt  }
0x71: {  	_ =	shalt  }
0x72: {  	_ =	shalt  }
0x73: {  	_ =	shalt  }
0x74: {  	_ =	shalt  }
0x75: {  	_ =	shalt  }
0x76: {  	_ =	shalt  }
0x77: {  	_ =	shalt  }
0x78: {  	_ =	shalt  }
0x79: {  	_ =	shalt  }
0x7a: {  	_ =	shalt  }
0x7b: {  	_ =	shalt  }
0x7c: {  	_ =	shalt  }
0x7d: {  	_ =	shalt  }
0x7e: {  	_ =	shalt  }
0x7f: {  	_ =	shalt  }
0x80: {  	_ =	shalt  }
0x81: {  	_ =	shalt  }
0x82: {  	_ =	shalt  }
0x83: {  	_ =	shalt  }
0x84: {  	_ =	shalt  }
0x85: {  	_ =	shalt  }
0x86: {  	_ =	shalt  }
0x87: {  	_ =	shalt  }
.Lfunc_end0:
.L_simem_size_0:
called_computation.2_lowered:
.L_overlay_start_0:
0x88: {  	s2 =	sld [smem:$0x3FD9]  }
0x89: {  	s3 =	sld [smem:$0x3FFE];
	_ =	sdelay $0x1  }
0x8a: {  	s1 =	srdreg.scid  }
0x8b: {  	s0 =	sand.u32 $0x1, s1  }
0x8c: {  	s16 =	sshll.u32 s0, $0xA;
	s2 =	sadd.s32 s3, s2  }
0x8d: {  	s2 =	sadd.s32 s2, s16  }
0x8e: {  	[smem:$0x3FBD] =	sst s2  }
0x8f: {  	_ = 	snop  }
0x90: {  	(tm) =	ssettm $0x1  }
0x91: {  	s17 =	sld [smem:$0x3FFB];
	_ =	sdelay $0x3  }
0x92: {  	_ =	strace s17  }
0x93: {  	s2 =	sld [smem:$0x3FFC];
	_ =	sdelay $0x3  }
0x94: {  	_ =	strace s2  }
0x95: {  	s2 =	sld [smem:$0x3FFD];
	_ =	sdelay $0x3  }
0x96: {  	_ =	strace s2  }
0x97: {  	_ =	strace $0x8FFFFFFF  }
0x98: {  	s18 =	sld [smem:$0x3FDB];
	_ =	sdelay $0x1  }
0x99: {  	s19 =	simm.s32 $_scs_section_size  }
0x9a: {  	s4 =	simm.s32 $_size__tile_overlayer_lowered;
	s5 =	simm.s32 $_tile_overlayer_lowered  }
0x9b: {  	s22 =	simm.s32 $0x1BFF;
	s21 =	sshll.u32 s5, $0x1;
	s2 =	sadd.s32 s19, s18  }
0x9c: {  	s6 =	simm.s32 $0x0;
	s20 =	sshll.u32 s4, $0x1;
	s4 =	sadd.s32 s21, s2  }
0x9d: {  	[timem:s6], [sflag:s22] =	dma.local [hbm:s4], s20  }
0x9e: {  	_ =	swait.ge [sflag:s22], s20  }
0x9f: {  	s3 =	ssub.s32 $0x0, s20;
	[sflag:s22] =	ssyncset.done $0x0  }
0xa0: {  	[sflag:s22] =	ssyncadd.s32 s3;
	_ =	sdelay $0x1  }
0xa1: {  	s23 =	simm.s32 $0x1B8B  }
0xa2: {  	_ =	swait.ge [sflag:s23], $0x1  }
0xa3: {  	[sflag:s23] =	ssyncset.done $0x0  }
0xa4: {  	s25 =	simm.s32 $0x1B8E;
	s24 =	sld [smem:$0x3FFE];
	[sflag:s23] =	ssyncadd.s32 $0xFFFFFFFF  }
0xa5: {  	s26 =	simm.s32 $execute0_lowered;
	[smem:$0x3FD2] =	sst s25  }
0xa6: {  	s4 =	sshll.u32 s26, $0x1;
	_ =	strace $0x8000004C;
	[dreg:$0x1] =	wrdreg $0xFFFFFFFF  }
0xa7: {  	s28 =	simm.s32 $_size_execute0_lowered;
	s2 =	sadd.s32 s2, s4;
	[dreg:$0x0] =	wrdreg $0x0  }
0xa8: {  	s4 =	sshll.u32 s28, $0x1;
	[dreg:$0x2] =	wrdreg s2  }
0xa9: {  	[dreg:$0x3] =	wrdreg s4  }
0xaa: {  	[dreg:$0x4] =	wrdreg $0xC0  }
0xab: {  	_ =	task [dreg:s6], $0x5FFFF  }
0xac: {  	[dreg:$0x1] =	wrdreg $0xFFFFFFFF  }
0xad: {  	[dreg:$0x0] =	wrdreg $0x60  }
0xae: {  	[dreg:$0x2] =	wrdreg s24  }
0xaf: {  	[dreg:$0x3] =	wrdreg $0x70000  }
0xb0: {  	[dreg:$0x4] =	wrdreg $0x9  }
0xb1: {  	_ =	task.clear_ibuf [dreg:s6], $0x5FFFF;
	_ =	strace $0x9000004C  }
0xb2: {  	s29 =	simm.s32 $0x9;
	_ =	strace $0x8000004E  }
0xb3: {  	_ =	swait.ge [sflag:s29], $0x1  }
0xb4: {  	[sflag:s29] =	ssyncadd.s32 $0xFFFFFFFF  }
0xb5: {  	_ =	strace $0x9000004E  }
0xb6: {  	_ =	sfence  }
0xb7: {  	s30 =	sld [smem:$0x0];
	_ =	sdelay $0x2  }
0xb8: {  	s31 =	sshll.u32 s1, $0xD;
	s1 =	sshrl.u32 s1, $0x2  }
0xb9: {  	s3 =	sand.u32 $0x4000, s31;
	s1 =	sadd.s32 s1, s30  }
0xba: {  	s0 =	sor.u32 s3, s0;
	s1 =	sshll.u32 s1, $0x11  }
0xbb: {  	s0 =	sor.u32 s1, s0  }
0xbc: {  	s0 =	sadd.s32 $0x8F2B, s0  }
0xbd: {  	[sflag:s0] =	ssyncadd.remote.s32 $0x1  }
0xbe: {  	_ =	sfence.sel $0xFFFF  }
0xbf: {  	[dreg:$0x0] =	wrdreg $0xFFFFFFFF;
	(pc) =	sbr.abs _section_cstart, $3  }
0xc0: {  	[dreg:$0x1] =	wrdreg $0xFFFFFFFF  }
0xc1: {  	_ =	task.clear_ibuf [dreg:s6], $0x2FFFF;
	_ =	strace $0x9FFFFFFF  }
0xc2: {  	(tm) =	ssettm $0x7FFFFFFF  }
0xc3: {  	_ =	shalt  }
tec
execute0_lowered:
.L_overlay_start_1:
0x0: {  	(tag) =	ssettag $0x1  }
0x1: {  	s4 =	rddreg [dreg:$0x0]  }
0x2: {  	s2 =	rddreg [dreg:$0x1]  }
0x3: {  	s0 =	rddreg [dreg:$0x2]  }
0x4: {  	s1 =	stileid.u32;
	s5 =	srdreg.scid;
	s3 =	simm.s32 $0x0  }
0x5: {  	s14 =	simm.s32 $0x80;
	s15 =	simm.s32 $0x5000;
	s16 =	simm.s32 $0x0  }
0x6: {  	s5 =	sand.u32 $0x1, s5;
	s6 =	smul.u32 $0xA000, s1;
	[smem:$0x7FF] =	sst s3  }
0x7: {  	s8 =	smul.u32 $0x500, s1;
	s9 =	sadd.s32 $0x3D400, s4;
	s31 =	sshll.u32 s1, $0x6  }
0x8: {  	s7 =	smul.u32 $0xA0000, s5;
	_ =	strace $0x8000004D;
	s5 =	ssub.s32 $0x2, s5  }
0x9: {  	s8 =	sadd.s32 s8, s4;
	s11 =	sshrl.u32 s5, $0x1;
	s13 =	sadd.s32 s6, s2  }
0xa: {  	s10 =	sadd.s32 s6, s7;
	s11 =	ssub.s32 s5, s11;
	s5 =	sadd.s32 $0x1400, s8  }
0xb: {  	s7 =	sshrl.u32 s7, $0x3;
	s13 =	sshrl.u32 s13, $0x3;
	s10 =	sshrl.u32 s10, $0x3  }
0xc: {  	s7 =	sadd.s32 s9, s7;
	s12 =	sadd.s32 s10, s4;
	s4 =	sadd.s32 $0x10400, s8  }
0xd: {  	s6 =	sadd.s32 s9, s10;
	s9 =	smax.u32 s11, $0x1;
	s10 =	simm.s32 $0x1  }
0xe: {  	s11 =	simm.s32 $0x2800;
	s8 =	sadd.s32 $0x65400, s12;
	s12 =	sor.u32 $0x1C01, s31  }
.LBB2_1:
0xf: {  	[tilespmem:s3], [sflag:$0x1] =	stream.linear.gather [hbm4b:s4+s3], $0x2800, $0x38;
	[tilespmem:$0x11000] =	vst v63  }
0x10: {  	_ =	swait.ge [sflag:s10], $0x2800  }
0x11: {  	[sflag:s10] =	ssyncset.done $0x0  }
0x12: {  	[sflag:s10] =	ssyncadd.s32 $0xFFFFD800  }
0x13: {  	[tilespmem:s11], [sflag:$0x1] =	stream.linear.gather [hbm4b:s5+s3], $0x2800, $0x38;
	[tilespmem:$0x11000] =	vst v63  }
0x14: {  	_ =	swait.ge [sflag:s10], $0x2800  }
0x15: {  	[sflag:s10] =	ssyncset.done $0x0  }
0x16: {  	[sflag:s10] =	ssyncadd.s32 $0xFFFFD800  }
0x17: {  	[spmem:s13], [sflag:s12] =	dma.local [hbm:s6], $0x1400  }
0x18: {  	_ =	swait.ge [sflag:s10], $0x1400  }
0x19: {  	[sflag:s10] =	ssyncset.done $0x0  }
0x1a: {  	[sflag:s10] =	ssyncadd.s32 $0xFFFFEC00  }
0x1b: {  	s17 =	simm.s32 $0x0;
	[bflag:$0x0] =	sbarrier.arrive $0xFFFF  }
0x1c: {  	[tilespmem:s15], [sflag:$0x1] =	stream.indirect.gather [hbm4b:s7+s14], $0x40, s17, s14, $0xb8;
	[tilespmem:$0x11000] =	vst v63  }
0x1d: {  	_ =	swait.ge [sflag:s10], $0x2000  }
0x1e: {  	[sflag:s10] =	ssyncset.done $0x0  }
0x1f: {  	s31 =	simm.s32 $0x2800;
	[sflag:s10] =	ssyncadd.s32 $0xFFFFE000  }
0x20: {  	[spmem:s2] =	stream.indirect.scatter.add.f32 [tilespmem:s15], [sflag:$0x1], $0x40, s31, s14, $0xb8;
	[tilespmem:$0x11000] =	vst v63  }
0x21: {  	_ =	swait.ge [sflag:s10], $0x2000  }
0x22: {  	s18 =	simm.s32 $0x400;
	s17 =	simm.s32 $0x200;
	[sflag:s10] =	ssyncset.done $0x0  }
.LBB2_2:
0x23: {  	s19 =	sshra.s32 s17, $0x2  }
0x24: {  	[sflag:s10] =	ssyncadd.s32 $0xFFFFE000;
	s17 =	smov.u32 s18;
	s20 =	sadd.s32 $0x200, s18  }
0x25: {  	[tilespmem:s15], [sflag:$0x1] =	stream.indirect.gather [hbm4b:s7+s14], $0x40, s19, s14, $0xb8;
	[tilespmem:$0x11000] =	vst v63  }
0x26: {  	p0 =	sne.s32 s18, $0x9E00;
	_ =	swait.ge [sflag:s10], $0x2000  }
.Ltmp0:
0x27: {  	[sflag:s10] =	ssyncset.done $0x0;
	(pc) =	sbr.rel @p0 .LBB2_2-.Ltmp0, $4  }
0x28: {  	s18 =	sadd.s32 $0x2800, s19;
	[sflag:s10] =	ssyncadd.s32 $0xFFFFE000  }
0x29: {  	[spmem:s2] =	stream.indirect.scatter.add.f32 [tilespmem:s15], [sflag:$0x1], $0x40, s18, s14, $0xb8;
	[tilespmem:$0x11000] =	vst v63  }
0x2a: {  	_ =	swait.ge [sflag:s10], $0x2000  }
0x2b: {  	s18 =	smov.u32 s20;
	[sflag:s10] =	ssyncset.done $0x0  }
0x2c: {  	s17 =	sshra.s32 s17, $0x2;
	[sflag:s10] =	ssyncadd.s32 $0xFFFFE000  }
0x2d: {  	[tilespmem:s15], [sflag:$0x1] =	stream.indirect.gather [hbm4b:s7+s14], $0x40, s17, s14, $0xb8;
	[tilespmem:$0x11000] =	vst v63  }
0x2e: {  	_ =	swait.ge [sflag:s10], $0x2000  }
0x2f: {  	[sflag:s10] =	ssyncset.done $0x0  }
0x30: {  	s17 =	sadd.s32 $0x2800, s17;
	[sflag:s10] =	ssyncadd.s32 $0xFFFFE000  }
0x31: {  	[spmem:s2] =	stream.indirect.scatter.add.f32 [tilespmem:s15], [sflag:$0x1], $0x40, s17, s14, $0xb8;
	[tilespmem:$0x11000] =	vst v63  }
0x32: {  	_ =	swait.ge [sflag:s10], $0x2000  }
0x33: {  	s16 =	sadd.s32 $0x1, s16;
	[sflag:s10] =	ssyncset.done $0x0  }
0x34: {  	p0 =	sne.s32 s16, s9;
	[sflag:s10] =	ssyncadd.s32 $0xFFFFE000  }
.Ltmp1:
0x35: {  	[bflag:$0x0] =	sbarrier.arrive $0xFFFF;
	(pc) =	sbr.rel @p0 .LBB2_1-.Ltmp1, $4  }
0x36: {  	[hbm:s8], [sflag:s12] =	dma.local [spmem:s13], $0x1400  }
0x37: {  	_ =	swait.ge [sflag:s10], $0x1400  }
0x38: {  	[sflag:s10] =	ssyncset.done $0x0  }
0x39: {  	[sflag:s10] =	ssyncadd.s32 $0xFFFFEC00  }
0x3a: {  	_ =	sfence.sel $0x180000  }
0x3b: {  	[bflag:$0x0] =	sbarrier.arrive $0xFFFF  }
0x3c: {  	p0 =	sne.s32 s1, $0x0;
	_ =	strace $0x9000004D  }
0x3d: {  	s0 =	sadd.s32 @!p0 $0x100000, s0;
	[bflag:$0x2] =	sbarrier.arrive $0xFFFF  }
0x3e: {  	[sflag:s0] =	ssyncadd.tile.s32 @!p0 $0x1;
	_ =	shalt  }
.Lfunc_end2:
_tile_overlayer_lowered:
.L_overlay_start_2:
0x3f: {  	(tag) =	ssettag $0x2  }
0x40: {  	s0 =	rddreg [dreg:$0x0];
	s2 =	stileid.u32  }
0x41: {  	s1 =	rddreg [dreg:$0x1];
	p0 =	sne.s32 s2, $0x0  }
0x42: {  	s3 =	rddreg [dreg:$0x2];
	[bflag:$0x3] =	sbarrier.arrive $0xFFFF;
	s2 =	simm.s32 @!p0 $0x1C01  }
0x43: {  	[timem:s3], [sflag:s2] =	dma.local @!p0 [hbm:s0], s1  }
0x44: {  	s0 =	simm.s32 @!p0 $0x1  }
0x45: {  	_ =	swait.ge @!p0 [sflag:s0], s1  }
0x46: {  	s1 =	ssub.s32 @!p0 $0x0, s1;
	[sflag:s0] =	ssyncset.done @!p0 $0x0  }
0x47: {  	[sflag:s0] =	ssyncadd.s32 @!p0 s1  }
0x48: {  	[bflag:$0x3] =	sbarrier.arrive $0xFFFF  }
0x49: {  	_ =	shalt  }

// kernel: kernel.21.cloned.1.call-start
scs
__scs_entry_jumppad:
0x0: {  	(pc) =	sbr.rel $0x88, $3  }
0x1: {  	(tag) =	ssettag $0x0;
	lr =	simm.s32 $0x1  }
0x2: {  	[smem:$0x3F96] =	sst lr;
	_ =	strace $0xD0000000  }
0x3: {  	_ = 	snop  }
0x4: {  	_ = 	snop  }
0x5: {  	_ = 	snop  }
0x6: {  	_ = 	snop  }
0x7: {  	_ = 	snop  }
__scs_overlays_trampoline_lowered:
0x8: {  	[smem:$0x3FA5] =	sst s0  }
0x9: {  	[smem:$0x3FA6] =	sst s1  }
0xa: {  	[smem:$0x3FA7] =	sst s2  }
0xb: {  	[smem:$0x3FA8] =	sst s3  }
0xc: {  	[smem:$0x3FA9] =	sst s4  }
0xd: {  	[smem:$0x3FAA] =	sst s5  }
0xe: {  	[smem:$0x3FAB] =	sst s6  }
0xf: {  	[smem:$0x3FAC] =	sst s7  }
0x10: {  	[smem:$0x3FAD] =	sst s8  }
0x11: {  	[smem:$0x3FAE] =	sst s9;
	s0 =	simm.s32 @!p0 $0x0  }
0x12: {  	s1 =	sld [smem:$0x3F94];
	s0 =	simm.s32 @p0 $0x1  }
0x13: {  	[smem:$0x3FAF] =	sst s0;
	s0 =	simm.s32 @!p1 $0x0  }
0x14: {  	s2 =	sld [smem:$0x3F93];
	s0 =	simm.s32 @p1 $0x1  }
0x15: {  	[smem:$0x3FB0] =	sst s0;
	s0 =	simm.s32 @!p2 $0x0  }
0x16: {  	s3 =	sld [smem:$0x3FDB];
	s0 =	simm.s32 @p2 $0x1  }
0x17: {  	s4 =	simm.s32 $0x1BF5;
	[smem:$0x3FB2] =	sst s0  }
0x18: {  	s0 =	sld [smem:$0x3F95];
	_ =	swait.ge [sflag:s4], $0x0  }
0x19: {  	s7 =	sld [smem:$0x3F96]  }
0x1a: {  	s8 =	sadd.s32 $0xFFFFE003, lr  }
0x1b: {  	s9 =	sadd.s32 $0xFFFFFEF7, lr;
	s5 =	simm.s32 $0xFFFFFFFF;
	p2 =	slt.u32 s8, $0xFFFFF086  }
0x1c: {  	p1 =	slt.u32 s9, $0xF7A;
	s5 =	simm.s32 @!p2 $0x0  }
0x1d: {  	s5 =	simm.s32 @p1 $0x1;
	p0 =	seq.s32 s7, s2  }
0x1e: {  	s7 =	smul.u32 @!p0 $0xF7A, s2;
	p2 =	seq.s32 @!p0 s5, $0x0  }
0x1f: {  	s9 =	smul.u32 $0xF7A, s1;
	s8 =	simm.s32 @!p0 $0x1BF5;
	p2 =	por !p2, p0  }
0x20: {  	[sflag:s8] =	ssyncset.s32 @!p0 $0xFFFFF086;
	s6 =	sadd.s32 @!p0 s3, s7;
	s7 =	simm.s32 @!p0 $0x108  }
0x21: {  	s3 =	sadd.s32 s3, s9;
	s6 =	sadd.s32 @!p0 $0x88, s6;
	s7 =	simm.s32 @p2 $0x1082  }
0x22: {  	[simem:s7], [sflag:s8] =	dma.local @!p0 [hbm:s6], $0xF7A  }
0x23: {  	s9 =	sor.u32 $0xD0000000, s2;
	s6 =	simm.s32 $0x108;
	_ =	swait.ge @!p0 [sflag:s8], $0x0  }
0x24: {  	s3 =	sadd.s32 $0x88, s3;
	s6 =	simm.s32 @!p1 $0x1082;
	[sflag:s4] =	ssyncset.s32 $0xFFFFF086  }
0x25: {  	[simem:s6], [sflag:s4] =	dma.local [hbm:s3], $0xF7A  }
0x26: {  	[smem:$0x3F96] =	sst s1;
	(tag) =	ssettag s2;
	_ =	strace s9  }
0x27: {  	s1 =	sld [smem:$0x3FA6]  }
0x28: {  	s2 =	sld [smem:$0x3FA7]  }
0x29: {  	s4 =	sld [smem:$0x3FA9]  }
0x2a: {  	p0 =	seq.s32 s5, $0x0;
	s5 =	sld [smem:$0x3FAA]  }
0x2b: {  	s6 =	sld [smem:$0x3FAB]  }
0x2c: {  	s7 =	sld [smem:$0x3FAC]  }
0x2d: {  	s3 =	simm.s32 $0x108;
	s8 =	sld [smem:$0x3FAD]  }
0x2e: {  	s3 =	simm.s32 @!p0 $0x1082;
	s9 =	sld [smem:$0x3FAE]  }
0x2f: {  	lr =	sadd.s32 s0, s3;
	s0 =	sld [smem:$0x3FA5]  }
0x30: {  	s3 =	sld [smem:$0x3FA8]  }
0x31: {  	[smem:$0x3FB1] =	sst s10  }
0x32: {  	s10 =	sld [smem:$0x3FAF];
	_ =	sdelay $0x3  }
0x33: {  	p0 =	seq.s32 s10, $0x1;
	s10 =	sld [smem:$0x3FB1];
	_ =	sdelay $0x3  }
0x34: {  	[smem:$0x3FB1] =	sst s10  }
0x35: {  	s10 =	sld [smem:$0x3FB0];
	_ =	sdelay $0x3  }
0x36: {  	p1 =	seq.s32 s10, $0x1;
	s10 =	sld [smem:$0x3FB1];
	_ =	sdelay $0x3  }
0x37: {  	[smem:$0x3FB1] =	sst s10  }
0x38: {  	s10 =	sld [smem:$0x3FB2]  }
0x39: {  	_ = 	snop;
	(pc) =	sbr.ind lr, $3  }
0x3a: {  	_ = 	snop  }
0x3b: {  	_ = 	snop  }
0x3c: {  	p2 =	seq.s32 s10, $0x1;
	s10 =	sld [smem:$0x3FB1]  }
0x3d: {  	_ =	shalt  }
0x3e: {  	_ =	shalt  }
0x3f: {  	_ =	shalt  }
0x40: {  	_ =	shalt  }
0x41: {  	_ =	shalt  }
0x42: {  	_ =	shalt  }
0x43: {  	_ =	shalt  }
0x44: {  	_ =	shalt  }
0x45: {  	_ =	shalt  }
0x46: {  	_ =	shalt  }
0x47: {  	_ =	shalt  }
0x48: {  	_ =	shalt  }
0x49: {  	_ =	shalt  }
0x4a: {  	_ =	shalt  }
0x4b: {  	_ =	shalt  }
0x4c: {  	_ =	shalt  }
0x4d: {  	_ =	shalt  }
0x4e: {  	_ =	shalt  }
0x4f: {  	_ =	shalt  }
0x50: {  	_ =	shalt  }
0x51: {  	_ =	shalt  }
0x52: {  	_ =	shalt  }
0x53: {  	_ =	shalt  }
0x54: {  	_ =	shalt  }
0x55: {  	_ =	shalt  }
0x56: {  	_ =	shalt  }
0x57: {  	_ =	shalt  }
0x58: {  	_ =	shalt  }
0x59: {  	_ =	shalt  }
0x5a: {  	_ =	shalt  }
0x5b: {  	_ =	shalt  }
0x5c: {  	_ =	shalt  }
0x5d: {  	_ =	shalt  }
0x5e: {  	_ =	shalt  }
0x5f: {  	_ =	shalt  }
0x60: {  	_ =	shalt  }
0x61: {  	_ =	shalt  }
0x62: {  	_ =	shalt  }
0x63: {  	_ =	shalt  }
0x64: {  	_ =	shalt  }
0x65: {  	_ =	shalt  }
0x66: {  	_ =	shalt  }
0x67: {  	_ =	shalt  }
0x68: {  	_ =	shalt  }
0x69: {  	_ =	shalt  }
0x6a: {  	_ =	shalt  }
0x6b: {  	_ =	shalt  }
0x6c: {  	_ =	shalt  }
0x6d: {  	_ =	shalt  }
0x6e: {  	_ =	shalt  }
0x6f: {  	_ =	shalt  }
0x70: {  	_ =	shalt  }
0x71: {  	_ =	shalt  }
0x72: {  	_ =	shalt  }
0x73: {  	_ =	shalt  }
0x74: {  	_ =	shalt  }
0x75: {  	_ =	shalt  }
0x76: {  	_ =	shalt  }
0x77: {  	_ =	shalt  }
0x78: {  	_ =	shalt  }
0x79: {  	_ =	shalt  }
0x7a: {  	_ =	shalt  }
0x7b: {  	_ =	shalt  }
0x7c: {  	_ =	shalt  }
0x7d: {  	_ =	shalt  }
0x7e: {  	_ =	shalt  }
0x7f: {  	_ =	shalt  }
0x80: {  	_ =	shalt  }
0x81: {  	_ =	shalt  }
0x82: {  	_ =	shalt  }
0x83: {  	_ =	shalt  }
0x84: {  	_ =	shalt  }
0x85: {  	_ =	shalt  }
0x86: {  	_ =	shalt  }
0x87: {  	_ =	shalt  }
.Lfunc_end0:
.L_simem_size_0:
called_computation.3_lowered:
.L_overlay_start_0:
0x88: {  	s2 =	sld [smem:$0x3FD9]  }
0x89: {  	s3 =	sld [smem:$0x3FFE];
	_ =	sdelay $0x1  }
0x8a: {  	s1 =	srdreg.scid  }
0x8b: {  	s0 =	sand.u32 $0x1, s1  }
0x8c: {  	s16 =	sshll.u32 s0, $0xA;
	s2 =	sadd.s32 s3, s2  }
0x8d: {  	s2 =	sadd.s32 s2, s16  }
0x8e: {  	[smem:$0x3FBD] =	sst s2  }
0x8f: {  	_ = 	snop  }
0x90: {  	(tm) =	ssettm $0x1  }
0x91: {  	s17 =	sld [smem:$0x3FFB];
	_ =	sdelay $0x3  }
0x92: {  	_ =	strace s17  }
0x93: {  	s2 =	sld [smem:$0x3FFC];
	_ =	sdelay $0x3  }
0x94: {  	_ =	strace s2  }
0x95: {  	s2 =	sld [smem:$0x3FFD];
	_ =	sdelay $0x3  }
0x96: {  	_ =	strace s2  }
0x97: {  	_ =	strace $0x8FFFFFFF  }
0x98: {  	s18 =	sld [smem:$0x3FDB];
	_ =	sdelay $0x1  }
0x99: {  	s19 =	simm.s32 $_scs_section_size  }
0x9a: {  	s4 =	simm.s32 $_size__tile_overlayer_lowered;
	s5 =	simm.s32 $_tile_overlayer_lowered  }
0x9b: {  	s22 =	simm.s32 $0x1BFF;
	s21 =	sshll.u32 s5, $0x1;
	s2 =	sadd.s32 s19, s18  }
0x9c: {  	s6 =	simm.s32 $0x0;
	s20 =	sshll.u32 s4, $0x1;
	s4 =	sadd.s32 s21, s2  }
0x9d: {  	[timem:s6], [sflag:s22] =	dma.local [hbm:s4], s20  }
0x9e: {  	_ =	swait.ge [sflag:s22], s20  }
0x9f: {  	s3 =	ssub.s32 $0x0, s20;
	[sflag:s22] =	ssyncset.done $0x0  }
0xa0: {  	[sflag:s22] =	ssyncadd.s32 s3;
	_ =	sdelay $0x1  }
0xa1: {  	s23 =	simm.s32 $0x1B8B  }
0xa2: {  	_ =	swait.ge [sflag:s23], $0x1  }
0xa3: {  	[sflag:s23] =	ssyncset.done $0x0  }
0xa4: {  	s25 =	simm.s32 $0x1B8E;
	s24 =	sld [smem:$0x3FFE];
	[sflag:s23] =	ssyncadd.s32 $0xFFFFFFFF  }
0xa5: {  	s26 =	simm.s32 $execute0_lowered;
	[smem:$0x3FD2] =	sst s25  }
0xa6: {  	s4 =	sshll.u32 s26, $0x1;
	_ =	strace $0x8000004F;
	[dreg:$0x1] =	wrdreg $0xFFFFFFFF  }
0xa7: {  	s28 =	simm.s32 $_size_execute0_lowered;
	s2 =	sadd.s32 s2, s4;
	[dreg:$0x0] =	wrdreg $0x0  }
0xa8: {  	s4 =	sshll.u32 s28, $0x1;
	[dreg:$0x2] =	wrdreg s2  }
0xa9: {  	[dreg:$0x3] =	wrdreg s4  }
0xaa: {  	[dreg:$0x4] =	wrdreg $0xC0  }
0xab: {  	_ =	task [dreg:s6], $0x5FFFF  }
0xac: {  	[dreg:$0x1] =	wrdreg $0xFFFFFFFF  }
0xad: {  	[dreg:$0x0] =	wrdreg $0x60  }
0xae: {  	[dreg:$0x2] =	wrdreg s24  }
0xaf: {  	[dreg:$0x3] =	wrdreg $0x30000  }
0xb0: {  	[dreg:$0x4] =	wrdreg $0x9  }
0xb1: {  	_ =	task.clear_ibuf [dreg:s6], $0x5FFFF;
	_ =	strace $0x9000004F  }
0xb2: {  	s29 =	simm.s32 $0x9;
	_ =	strace $0x80000051  }
0xb3: {  	_ =	swait.ge [sflag:s29], $0x1  }
0xb4: {  	[sflag:s29] =	ssyncadd.s32 $0xFFFFFFFF  }
0xb5: {  	_ =	strace $0x90000051  }
0xb6: {  	_ =	sfence  }
0xb7: {  	s30 =	sld [smem:$0x0];
	_ =	sdelay $0x2  }
0xb8: {  	s31 =	sshll.u32 s1, $0xD;
	s1 =	sshrl.u32 s1, $0x2  }
0xb9: {  	s3 =	sand.u32 $0x4000, s31;
	s1 =	sadd.s32 s1, s30  }
0xba: {  	s0 =	sor.u32 s3, s0;
	s1 =	sshll.u32 s1, $0x11  }
0xbb: {  	s0 =	sor.u32 s1, s0  }
0xbc: {  	s0 =	sadd.s32 $0x8F2B, s0  }
0xbd: {  	[sflag:s0] =	ssyncadd.remote.s32 $0x1  }
0xbe: {  	_ =	sfence.sel $0xFFFF  }
0xbf: {  	[dreg:$0x0] =	wrdreg $0xFFFFFFFF;
	(pc) =	sbr.abs _section_cstart, $3  }
0xc0: {  	[dreg:$0x1] =	wrdreg $0xFFFFFFFF  }
0xc1: {  	_ =	task.clear_ibuf [dreg:s6], $0x2FFFF;
	_ =	strace $0x9FFFFFFF  }
0xc2: {  	(tm) =	ssettm $0x7FFFFFFF  }
0xc3: {  	_ =	shalt  }
tec
execute0_lowered:
.L_overlay_start_1:
0x0: {  	(tag) =	ssettag $0x1  }
0x1: {  	s5 =	rddreg [dreg:$0x0]  }
0x2: {  	s2 =	rddreg [dreg:$0x1]  }
0x3: {  	s0 =	rddreg [dreg:$0x2];
	s4 =	srdreg.scid  }
0x4: {  	s1 =	stileid.u32;
	s3 =	simm.s32 $0x0;
	s11 =	simm.s32 $0x1400  }
0x5: {  	s14 =	simm.s32 $0x80;
	s15 =	simm.s32 $0x2800;
	s16 =	simm.s32 $0x0  }
0x6: {  	s4 =	sand.u32 $0x1, s4;
	s7 =	smul.u32 $0x2800, s1;
	[smem:$0x7FF] =	sst s3  }
0x7: {  	s12 =	sshll.u32 s1, $0x6;
	s6 =	sshll.u32 s4, $0x4;
	s8 =	smul.u32 $0x28000, s4  }
0x8: {  	_ =	strace $0x80000050;
	s9 =	ssub.s32 $0x2, s4;
	s4 =	sadd.s32 $0x6400, s5  }
0x9: {  	s12 =	sor.u32 $0x1C01, s12;
	s6 =	sor.u32 s1, s6;
	s10 =	sshrl.u32 s9, $0x1  }
0xa: {  	s31 =	sshrl.u32 s7, $0x3;
	s13 =	sadd.s32 s7, s2;
	s6 =	smul.u32 $0x280, s6  }
0xb: {  	s8 =	sadd.s32 s7, s8;
	s9 =	ssub.s32 s9, s10;
	s7 =	sadd.s32 s4, s31  }
0xc: {  	s10 =	simm.s32 $0x1;
	s13 =	sshrl.u32 s13, $0x3;
	s8 =	sshrl.u32 s8, $0x3  }
0xd: {  	s9 =	smax.u32 s9, $0x1;
	s6 =	sadd.s32 s6, s5;
	s8 =	sadd.s32 s8, s5  }
0xe: {  	s5 =	sadd.s32 $0x10400, s6;
	s6 =	sadd.s32 $0x1400, s6;
	s8 =	sadd.s32 $0x65400, s8  }
.LBB2_1:
0xf: {  	[tilespmem:s3], [sflag:$0x1] =	stream.linear.gather [hbm4b:s5+s3], $0x1400, $0x38;
	[tilespmem:$0x5800] =	vst v63  }
0x10: {  	_ =	swait.ge [sflag:s10], $0x1400  }
0x11: {  	[sflag:s10] =	ssyncset.done $0x0  }
0x12: {  	[sflag:s10] =	ssyncadd.s32 $0xFFFFEC00  }
0x13: {  	[tilespmem:s11], [sflag:$0x1] =	stream.linear.gather [hbm4b:s6+s3], $0x1400, $0x38;
	[tilespmem:$0x5800] =	vst v63  }
0x14: {  	_ =	swait.ge [sflag:s10], $0x1400  }
0x15: {  	[sflag:s10] =	ssyncset.done $0x0  }
0x16: {  	[sflag:s10] =	ssyncadd.s32 $0xFFFFEC00  }
0x17: {  	[spmem:s13], [sflag:s12] =	dma.local [hbm:s7], $0x500  }
0x18: {  	_ =	swait.ge [sflag:s10], $0x500  }
0x19: {  	[sflag:s10] =	ssyncset.done $0x0  }
0x1a: {  	[sflag:s10] =	ssyncadd.s32 $0xFFFFFB00  }
0x1b: {  	s17 =	simm.s32 $0x0;
	[bflag:$0x0] =	sbarrier.arrive $0xFFFF  }
0x1c: {  	[tilespmem:s15], [sflag:$0x1] =	stream.indirect.gather [hbm4b:s4+s14], $0x10, s17, s14, $0xb8;
	[tilespmem:$0x5800] =	vst v63  }
0x1d: {  	_ =	swait.ge [sflag:s10], $0x800  }
0x1e: {  	[sflag:s10] =	ssyncset.done $0x0  }
0x1f: {  	s31 =	simm.s32 $0x1400;
	[sflag:s10] =	ssyncadd.s32 $0xFFFFF800  }
0x20: {  	[spmem:s2] =	stream.indirect.scatter.add.f32 [tilespmem:s15], [sflag:$0x1], $0x10, s31, s14, $0xb8;
	[tilespmem:$0x5800] =	vst v63  }
0x21: {  	_ =	swait.ge [sflag:s10], $0x800  }
0x22: {  	s18 =	simm.s32 $0x400;
	s17 =	simm.s32 $0x200;
	[sflag:s10] =	ssyncset.done $0x0  }
.LBB2_2:
0x23: {  	s19 =	sshra.s32 s17, $0x2  }
0x24: {  	[sflag:s10] =	ssyncadd.s32 $0xFFFFF800;
	s17 =	smov.u32 s18;
	s20 =	sadd.s32 $0x200, s18  }
0x25: {  	[tilespmem:s15], [sflag:$0x1] =	stream.indirect.gather [hbm4b:s4+s14], $0x10, s19, s14, $0xb8;
	[tilespmem:$0x5800] =	vst v63  }
0x26: {  	p0 =	sne.s32 s18, $0x4E00;
	_ =	swait.ge [sflag:s10], $0x800  }
.Ltmp0:
0x27: {  	[sflag:s10] =	ssyncset.done $0x0;
	(pc) =	sbr.rel @p0 .LBB2_2-.Ltmp0, $4  }
0x28: {  	s18 =	sadd.s32 $0x1400, s19;
	[sflag:s10] =	ssyncadd.s32 $0xFFFFF800  }
0x29: {  	[spmem:s2] =	stream.indirect.scatter.add.f32 [tilespmem:s15], [sflag:$0x1], $0x10, s18, s14, $0xb8;
	[tilespmem:$0x5800] =	vst v63  }
0x2a: {  	_ =	swait.ge [sflag:s10], $0x800  }
0x2b: {  	s18 =	smov.u32 s20;
	[sflag:s10] =	ssyncset.done $0x0  }
0x2c: {  	s17 =	sshra.s32 s17, $0x2;
	[sflag:s10] =	ssyncadd.s32 $0xFFFFF800  }
0x2d: {  	[tilespmem:s15], [sflag:$0x1] =	stream.indirect.gather [hbm4b:s4+s14], $0x10, s17, s14, $0xb8;
	[tilespmem:$0x5800] =	vst v63  }
0x2e: {  	_ =	swait.ge [sflag:s10], $0x800  }
0x2f: {  	[sflag:s10] =	ssyncset.done $0x0  }
0x30: {  	s17 =	sadd.s32 $0x1400, s17;
	[sflag:s10] =	ssyncadd.s32 $0xFFFFF800  }
0x31: {  	[spmem:s2] =	stream.indirect.scatter.add.f32 [tilespmem:s15], [sflag:$0x1], $0x10, s17, s14, $0xb8;
	[tilespmem:$0x5800] =	vst v63  }
0x32: {  	_ =	swait.ge [sflag:s10], $0x800  }
0x33: {  	s16 =	sadd.s32 $0x1, s16;
	[sflag:s10] =	ssyncset.done $0x0  }
0x34: {  	p0 =	sne.s32 s16, s9;
	[sflag:s10] =	ssyncadd.s32 $0xFFFFF800  }
.Ltmp1:
0x35: {  	[bflag:$0x0] =	sbarrier.arrive $0xFFFF;
	(pc) =	sbr.rel @p0 .LBB2_1-.Ltmp1, $4  }
0x36: {  	[hbm:s8], [sflag:s12] =	dma.local [spmem:s13], $0x500  }
0x37: {  	_ =	swait.ge [sflag:s10], $0x500  }
0x38: {  	[sflag:s10] =	ssyncset.done $0x0  }
0x39: {  	[sflag:s10] =	ssyncadd.s32 $0xFFFFFB00  }
0x3a: {  	_ =	sfence.sel $0x180000  }
0x3b: {  	[bflag:$0x0] =	sbarrier.arrive $0xFFFF  }
0x3c: {  	p0 =	sne.s32 s1, $0x0;
	_ =	strace $0x90000050  }
0x3d: {  	s0 =	sadd.s32 @!p0 $0x100000, s0;
	[bflag:$0x2] =	sbarrier.arrive $0xFFFF  }
0x3e: {  	[sflag:s0] =	ssyncadd.tile.s32 @!p0 $0x1;
	_ =	shalt  }
.Lfunc_end2:
_tile_overlayer_lowered:
.L_overlay_start_2:
0x3f: {  	(tag) =	ssettag $0x2  }
0x40: {  	s0 =	rddreg [dreg:$0x0];
	s2 =	stileid.u32  }
0x41: {  	s1 =	rddreg [dreg:$0x1];
	p0 =	sne.s32 s2, $0x0  }
0x42: {  	s3 =	rddreg [dreg:$0x2];
	[bflag:$0x3] =	sbarrier.arrive $0xFFFF;
	s2 =	simm.s32 @!p0 $0x1C01  }
0x43: {  	[timem:s3], [sflag:s2] =	dma.local @!p0 [hbm:s0], s1  }
0x44: {  	s0 =	simm.s32 @!p0 $0x1  }
0x45: {  	_ =	swait.ge @!p0 [sflag:s0], s1  }
0x46: {  	s1 =	ssub.s32 @!p0 $0x0, s1;
	[sflag:s0] =	ssyncset.done @!p0 $0x0  }
0x47: {  	[sflag:s0] =	ssyncadd.s32 @!p0 s1  }
0x48: {  	[bflag:$0x3] =	sbarrier.arrive $0xFFFF  }
0x49: {  	_ =	shalt  }

// kernel: kernel.24.cloned.1.call-start
scs
__scs_entry_jumppad:
0x0: {  	(pc) =	sbr.rel $0x88, $3  }
0x1: {  	(tag) =	ssettag $0x0;
	lr =	simm.s32 $0x1  }
0x2: {  	[smem:$0x3F96] =	sst lr;
	_ =	strace $0xD0000000  }
0x3: {  	_ = 	snop  }
0x4: {  	_ = 	snop  }
0x5: {  	_ = 	snop  }
0x6: {  	_ = 	snop  }
0x7: {  	_ = 	snop  }
__scs_overlays_trampoline_lowered:
0x8: {  	[smem:$0x3FA5] =	sst s0  }
0x9: {  	[smem:$0x3FA6] =	sst s1  }
0xa: {  	[smem:$0x3FA7] =	sst s2  }
0xb: {  	[smem:$0x3FA8] =	sst s3  }
0xc: {  	[smem:$0x3FA9] =	sst s4  }
0xd: {  	[smem:$0x3FAA] =	sst s5  }
0xe: {  	[smem:$0x3FAB] =	sst s6  }
0xf: {  	[smem:$0x3FAC] =	sst s7  }
0x10: {  	[smem:$0x3FAD] =	sst s8  }
0x11: {  	[smem:$0x3FAE] =	sst s9;
	s0 =	simm.s32 @!p0 $0x0  }
0x12: {  	s1 =	sld [smem:$0x3F94];
	s0 =	simm.s32 @p0 $0x1  }
0x13: {  	[smem:$0x3FAF] =	sst s0;
	s0 =	simm.s32 @!p1 $0x0  }
0x14: {  	s2 =	sld [smem:$0x3F93];
	s0 =	simm.s32 @p1 $0x1  }
0x15: {  	[smem:$0x3FB0] =	sst s0;
	s0 =	simm.s32 @!p2 $0x0  }
0x16: {  	s3 =	sld [smem:$0x3FDB];
	s0 =	simm.s32 @p2 $0x1  }
0x17: {  	s4 =	simm.s32 $0x1BF5;
	[smem:$0x3FB2] =	sst s0  }
0x18: {  	s0 =	sld [smem:$0x3F95];
	_ =	swait.ge [sflag:s4], $0x0  }
0x19: {  	s7 =	sld [smem:$0x3F96]  }
0x1a: {  	s8 =	sadd.s32 $0xFFFFE003, lr  }
0x1b: {  	s9 =	sadd.s32 $0xFFFFFEF7, lr;
	s5 =	simm.s32 $0xFFFFFFFF;
	p2 =	slt.u32 s8, $0xFFFFF086  }
0x1c: {  	p1 =	slt.u32 s9, $0xF7A;
	s5 =	simm.s32 @!p2 $0x0  }
0x1d: {  	s5 =	simm.s32 @p1 $0x1;
	p0 =	seq.s32 s7, s2  }
0x1e: {  	s7 =	smul.u32 @!p0 $0xF7A, s2;
	p2 =	seq.s32 @!p0 s5, $0x0  }
0x1f: {  	s9 =	smul.u32 $0xF7A, s1;
	s8 =	simm.s32 @!p0 $0x1BF5;
	p2 =	por !p2, p0  }
0x20: {  	[sflag:s8] =	ssyncset.s32 @!p0 $0xFFFFF086;
	s6 =	sadd.s32 @!p0 s3, s7;
	s7 =	simm.s32 @!p0 $0x108  }
0x21: {  	s3 =	sadd.s32 s3, s9;
	s6 =	sadd.s32 @!p0 $0x88, s6;
	s7 =	simm.s32 @p2 $0x1082  }
0x22: {  	[simem:s7], [sflag:s8] =	dma.local @!p0 [hbm:s6], $0xF7A  }
0x23: {  	s9 =	sor.u32 $0xD0000000, s2;
	s6 =	simm.s32 $0x108;
	_ =	swait.ge @!p0 [sflag:s8], $0x0  }
0x24: {  	s3 =	sadd.s32 $0x88, s3;
	s6 =	simm.s32 @!p1 $0x1082;
	[sflag:s4] =	ssyncset.s32 $0xFFFFF086  }
0x25: {  	[simem:s6], [sflag:s4] =	dma.local [hbm:s3], $0xF7A  }
0x26: {  	[smem:$0x3F96] =	sst s1;
	(tag) =	ssettag s2;
	_ =	strace s9  }
0x27: {  	s1 =	sld [smem:$0x3FA6]  }
0x28: {  	s2 =	sld [smem:$0x3FA7]  }
0x29: {  	s4 =	sld [smem:$0x3FA9]  }
0x2a: {  	p0 =	seq.s32 s5, $0x0;
	s5 =	sld [smem:$0x3FAA]  }
0x2b: {  	s6 =	sld [smem:$0x3FAB]  }
0x2c: {  	s7 =	sld [smem:$0x3FAC]  }
0x2d: {  	s3 =	simm.s32 $0x108;
	s8 =	sld [smem:$0x3FAD]  }
0x2e: {  	s3 =	simm.s32 @!p0 $0x1082;
	s9 =	sld [smem:$0x3FAE]  }
0x2f: {  	lr =	sadd.s32 s0, s3;
	s0 =	sld [smem:$0x3FA5]  }
0x30: {  	s3 =	sld [smem:$0x3FA8]  }
0x31: {  	[smem:$0x3FB1] =	sst s10  }
0x32: {  	s10 =	sld [smem:$0x3FAF];
	_ =	sdelay $0x3  }
0x33: {  	p0 =	seq.s32 s10, $0x1;
	s10 =	sld [smem:$0x3FB1];
	_ =	sdelay $0x3  }
0x34: {  	[smem:$0x3FB1] =	sst s10  }
0x35: {  	s10 =	sld [smem:$0x3FB0];
	_ =	sdelay $0x3  }
0x36: {  	p1 =	seq.s32 s10, $0x1;
	s10 =	sld [smem:$0x3FB1];
	_ =	sdelay $0x3  }
0x37: {  	[smem:$0x3FB1] =	sst s10  }
0x38: {  	s10 =	sld [smem:$0x3FB2]  }
0x39: {  	_ = 	snop;
	(pc) =	sbr.ind lr, $3  }
0x3a: {  	_ = 	snop  }
0x3b: {  	_ = 	snop  }
0x3c: {  	p2 =	seq.s32 s10, $0x1;
	s10 =	sld [smem:$0x3FB1]  }
0x3d: {  	_ =	shalt  }
0x3e: {  	_ =	shalt  }
0x3f: {  	_ =	shalt  }
0x40: {  	_ =	shalt  }
0x41: {  	_ =	shalt  }
0x42: {  	_ =	shalt  }
0x43: {  	_ =	shalt  }
0x44: {  	_ =	shalt  }
0x45: {  	_ =	shalt  }
0x46: {  	_ =	shalt  }
0x47: {  	_ =	shalt  }
0x48: {  	_ =	shalt  }
0x49: {  	_ =	shalt  }
0x4a: {  	_ =	shalt  }
0x4b: {  	_ =	shalt  }
0x4c: {  	_ =	shalt  }
0x4d: {  	_ =	shalt  }
0x4e: {  	_ =	shalt  }
0x4f: {  	_ =	shalt  }
0x50: {  	_ =	shalt  }
0x51: {  	_ =	shalt  }
0x52: {  	_ =	shalt  }
0x53: {  	_ =	shalt  }
0x54: {  	_ =	shalt  }
0x55: {  	_ =	shalt  }
0x56: {  	_ =	shalt  }
0x57: {  	_ =	shalt  }
0x58: {  	_ =	shalt  }
0x59: {  	_ =	shalt  }
0x5a: {  	_ =	shalt  }
0x5b: {  	_ =	shalt  }
0x5c: {  	_ =	shalt  }
0x5d: {  	_ =	shalt  }
0x5e: {  	_ =	shalt  }
0x5f: {  	_ =	shalt  }
0x60: {  	_ =	shalt  }
0x61: {  	_ =	shalt  }
0x62: {  	_ =	shalt  }
0x63: {  	_ =	shalt  }
0x64: {  	_ =	shalt  }
0x65: {  	_ =	shalt  }
0x66: {  	_ =	shalt  }
0x67: {  	_ =	shalt  }
0x68: {  	_ =	shalt  }
0x69: {  	_ =	shalt  }
0x6a: {  	_ =	shalt  }
0x6b: {  	_ =	shalt  }
0x6c: {  	_ =	shalt  }
0x6d: {  	_ =	shalt  }
0x6e: {  	_ =	shalt  }
0x6f: {  	_ =	shalt  }
0x70: {  	_ =	shalt  }
0x71: {  	_ =	shalt  }
0x72: {  	_ =	shalt  }
0x73: {  	_ =	shalt  }
0x74: {  	_ =	shalt  }
0x75: {  	_ =	shalt  }
0x76: {  	_ =	shalt  }
0x77: {  	_ =	shalt  }
0x78: {  	_ =	shalt  }
0x79: {  	_ =	shalt  }
0x7a: {  	_ =	shalt  }
0x7b: {  	_ =	shalt  }
0x7c: {  	_ =	shalt  }
0x7d: {  	_ =	shalt  }
0x7e: {  	_ =	shalt  }
0x7f: {  	_ =	shalt  }
0x80: {  	_ =	shalt  }
0x81: {  	_ =	shalt  }
0x82: {  	_ =	shalt  }
0x83: {  	_ =	shalt  }
0x84: {  	_ =	shalt  }
0x85: {  	_ =	shalt  }
0x86: {  	_ =	shalt  }
0x87: {  	_ =	shalt  }
.Lfunc_end0:
.L_simem_size_0:
called_computation.4_lowered:
.L_overlay_start_0:
0x88: {  	s2 =	sld [smem:$0x3FD9]  }
0x89: {  	s3 =	sld [smem:$0x3FFE];
	_ =	sdelay $0x1  }
0x8a: {  	s1 =	srdreg.scid  }
0x8b: {  	s0 =	sand.u32 $0x1, s1  }
0x8c: {  	s17 =	sshll.u32 s0, $0xA;
	s2 =	sadd.s32 s3, s2  }
0x8d: {  	s2 =	sadd.s32 s2, s17  }
0x8e: {  	[smem:$0x3FBD] =	sst s2  }
0x8f: {  	_ = 	snop  }
0x90: {  	s2 =	sld [smem:$0x3FD0];
	(tm) =	ssettm $0x1  }
0x91: {  	s18 =	sld [smem:$0x3FFB];
	_ =	sdelay $0x3  }
0x92: {  	_ =	strace s18  }
0x93: {  	s3 =	sld [smem:$0x3FFC];
	_ =	sdelay $0x3  }
0x94: {  	_ =	strace s3  }
0x95: {  	s3 =	sld [smem:$0x3FFD];
	_ =	sdelay $0x3  }
0x96: {  	_ =	strace s3  }
0x97: {  	_ =	strace $0x8FFFFFFF  }
0x98: {  	s19 =	sld [smem:$0x3FDB];
	_ =	sdelay $0x1  }
0x99: {  	s4 =	simm.s32 $_scs_section_size  }
0x9a: {  	s5 =	simm.s32 $_size__tile_overlayer_lowered;
	s6 =	simm.s32 $_tile_overlayer_lowered  }
0x9b: {  	s22 =	simm.s32 $0x1BFF;
	s21 =	sshll.u32 s6, $0x1;
	s3 =	sadd.s32 s4, s19  }
0x9c: {  	s7 =	simm.s32 $0x0;
	s20 =	sshll.u32 s5, $0x1;
	s5 =	sadd.s32 s21, s3  }
0x9d: {  	[timem:s7], [sflag:s22] =	dma.local [hbm:s5], s20  }
0x9e: {  	_ =	swait.ge [sflag:s22], s20  }
0x9f: {  	s4 =	ssub.s32 $0x0, s20;
	[sflag:s22] =	ssyncset.done $0x0  }
0xa0: {  	[sflag:s22] =	ssyncadd.s32 s4;
	_ =	sdelay $0x1  }
0xa1: {  	s23 =	simm.s32 $0x1B8B  }
0xa2: {  	_ =	swait.ge [sflag:s23], $0x1  }
0xa3: {  	[sflag:s23] =	ssyncset.done $0x0  }
0xa4: {  	s25 =	simm.s32 $0x1B8E;
	s24 =	sld [smem:$0x3FFE];
	[sflag:s23] =	ssyncadd.s32 $0xFFFFFFFF  }
0xa5: {  	s26 =	simm.s32 $execute0_lowered;
	[smem:$0x3FD2] =	sst s25  }
0xa6: {  	s5 =	sshll.u32 s26, $0x1;
	_ =	strace $0x80000052;
	[dreg:$0x1] =	wrdreg $0xFFFFFFFF  }
0xa7: {  	s28 =	simm.s32 $_size_execute0_lowered;
	s3 =	sadd.s32 s3, s5;
	[dreg:$0x0] =	wrdreg $0x0  }
0xa8: {  	s5 =	sshll.u32 s28, $0x1;
	[dreg:$0x2] =	wrdreg s3  }
0xa9: {  	[dreg:$0x3] =	wrdreg s5  }
0xaa: {  	[dreg:$0x4] =	wrdreg $0xC0  }
0xab: {  	_ =	task [dreg:s7], $0x5FFFF  }
0xac: {  	[dreg:$0x1] =	wrdreg $0xFFFFFFFF  }
0xad: {  	[dreg:$0x0] =	wrdreg $0x60  }
0xae: {  	[dreg:$0x2] =	wrdreg s2  }
0xaf: {  	[dreg:$0x3] =	wrdreg s24  }
0xb0: {  	[dreg:$0x4] =	wrdreg $0x9  }
0xb1: {  	_ =	task.clear_ibuf [dreg:s7], $0x5FFFF;
	_ =	strace $0x90000052  }
0xb2: {  	s29 =	simm.s32 $0x9;
	_ =	strace $0x80000054  }
0xb3: {  	_ =	swait.ge [sflag:s29], $0x1  }
0xb4: {  	[sflag:s29] =	ssyncadd.s32 $0xFFFFFFFF  }
0xb5: {  	_ =	strace $0x90000054  }
0xb6: {  	_ =	sfence  }
0xb7: {  	s30 =	sld [smem:$0x0];
	_ =	sdelay $0x2  }
0xb8: {  	s31 =	sshll.u32 s1, $0xD;
	s1 =	sshrl.u32 s1, $0x2  }
0xb9: {  	s3 =	sand.u32 $0x4000, s31;
	s1 =	sadd.s32 s1, s30  }
0xba: {  	s0 =	sor.u32 s3, s0;
	s1 =	sshll.u32 s1, $0x11  }
0xbb: {  	s0 =	sor.u32 s1, s0  }
0xbc: {  	s0 =	sadd.s32 $0x8F2B, s0  }
0xbd: {  	[sflag:s0] =	ssyncadd.remote.s32 $0x1  }
0xbe: {  	_ =	sfence.sel $0xFFFF  }
0xbf: {  	[dreg:$0x0] =	wrdreg $0xFFFFFFFF;
	(pc) =	sbr.abs _section_cstart, $3  }
0xc0: {  	[dreg:$0x1] =	wrdreg $0xFFFFFFFF  }
0xc1: {  	_ =	task.clear_ibuf [dreg:s7], $0x2FFFF;
	_ =	strace $0x9FFFFFFF  }
0xc2: {  	(tm) =	ssettm $0x7FFFFFFF  }
0xc3: {  	_ =	shalt  }
tec
execute0_lowered:
.L_overlay_start_1:
0x0: {  	(tag) =	ssettag $0x1  }
0x1: {  	s2 =	rddreg [dreg:$0x0]  }
0x2: {  	s0 =	srdreg.scid;
	s5 =	rddreg [dreg:$0x1]  }
0x3: {  	s3 =	simm.s32 $0x0;
	s10 =	simm.s32 $0x2800;
	s4 =	sand.u32 $0x1, s0  }
0x4: {  	s11 =	simm.s32 $0x5000;
	s0 =	stileid.u32;
	s1 =	sshll.u32 s4, $0x4  }
0x5: {  	s12 =	simm.s32 $0x6400;
	s13 =	simm.s32 $0x7800;
	s6 =	sor.u32 s0, s1  }
0x6: {  	s14 =	simm.s32 $0x0;
	[smem:$0x7FF] =	sst s3;
	s6 =	smul.u32 $0x280, s6  }
0x7: {  	s7 =	ssub.s32 $0x2, s4;
	s4 =	sadd.s32 $0x1400, s5;
	s1 =	rddreg [dreg:$0x2]  }
0x8: {  	_ =	strace $0x80000053;
	s31 =	sshrl.u32 s7, $0x1;
	s8 =	sadd.s32 s6, s5  }
0x9: {  	s9 =	ssub.s32 s7, s31;
	s5 =	sadd.s32 $0x74400, s8;
	s6 =	sadd.s32 $0x6F400, s8  }
0xa: {  	s7 =	sadd.s32 $0x1A00, s8;
	s8 =	smax.u32 s9, $0x1;
	s9 =	simm.s32 $0x1  }
.LBB2_1:
0xb: {  	[tilespmem:s3], [sflag:$0x1] =	stream.linear.gather [hbm4b:s2+s3], $0x2800, $0x38;
	[tilespmem:$0x8C00] =	vst v63  }
0xc: {  	_ =	swait.ge [sflag:s9], $0x2800  }
0xd: {  	[sflag:s9] =	ssyncset.done $0x0  }
0xe: {  	[sflag:s9] =	ssyncadd.s32 $0xFFFFD800  }
0xf: {  	[tilespmem:s10], [sflag:$0x1] =	stream.linear.gather [hbm4b:s4+s3], $0x2800, $0x38;
	[tilespmem:$0x8C00] =	vst v63  }
0x10: {  	_ =	swait.ge [sflag:s9], $0x2800  }
0x11: {  	[sflag:s9] =	ssyncset.done $0x0  }
0x12: {  	[sflag:s9] =	ssyncadd.s32 $0xFFFFD800  }
0x13: {  	[tilespmem:s11], [sflag:$0x1] =	stream.linear.gather [hbm4b:s5+s3], $0x1400, $0x38;
	[tilespmem:$0x8C00] =	vst v63  }
0x14: {  	_ =	swait.ge [sflag:s9], $0x1400  }
0x15: {  	[sflag:s9] =	ssyncset.done $0x0  }
0x16: {  	[sflag:s9] =	ssyncadd.s32 $0xFFFFEC00  }
0x17: {  	[tilespmem:s12], [sflag:$0x1] =	stream.linear.gather [hbm4b:s6+s3], $0x1400, $0x38;
	[tilespmem:$0x8C00] =	vst v63  }
0x18: {  	_ =	swait.ge [sflag:s9], $0x1400  }
0x19: {  	[sflag:s9] =	ssyncset.done $0x0  }
0x1a: {  	s15 =	simm.s32 $0x0;
	[sflag:s9] =	ssyncadd.s32 $0xFFFFEC00  }
0x1b: {  	v0 =	vld [tilespmem:s15+$0x6400]  }
0x1c: {  	v1 =	vld [tilespmem:s15+$0x5000];
	_ =	sdelay $0x6  }
0x1d: {  	v0 =	vld.idx.msk [tilespmem:v0+s10+$0x0], $0xffff  }
0x1e: {  	s16 =	simm.s32 $0x10;
	v2 =	vld.idx.msk [tilespmem:v1+s3+$0x0], $0xffff  }
0x1f: {  	s17 =	simm.s32 $0x80;
	v1 =	vld [tilespmem:s16+$0x6400]  }
.LBB2_2:
0x20: {  	p0 =	sne.s32 s17, $0x4FC0;
	v3 =	vld [tilespmem:s16+$0x5000];
	_ =	sdelay $0x3  }
0x21: {  	v0 =	vadd.f32 v0, v2  }
.Ltmp0:
0x22: {  	(pc) =	sbr.rel @p0 .LBB2_2-.Ltmp0, $4  }
0x23: {  	[tilespmem:s15+$0x7800] =	vst v0;
	s15 =	smov.u32 s16  }
0x24: {  	v0 =	vld.idx.msk [tilespmem:v1+s10+$0x0], $0xffff  }
0x25: {  	s16 =	sshra.s32 s17, $0x2;
	v2 =	vld.idx.msk [tilespmem:v3+s3+$0x0], $0xffff  }
0x26: {  	s17 =	sadd.s32 $0x40, s17;
	v1 =	vld [tilespmem:s16+$0x6400]  }
0x27: {  	_ = 	snop  }
0x28: {  	v3 =	vld [tilespmem:s16+$0x5000];
	_ =	sdelay $0x3  }
0x29: {  	v0 =	vadd.f32 v0, v2;
	_ =	sdelay $0x1  }
0x2a: {  	[tilespmem:s15+$0x7800] =	vst v0  }
0x2b: {  	v0 =	vld.idx.msk [tilespmem:v1+s10+$0x0], $0xffff  }
0x2c: {  	v63 =	vld.idx.msk [tilespmem:v3+s3+$0x0], $0xffff;
	_ =	sdelay $0x4  }
0x2d: {  	s14 =	sadd.s32 $0x1, s14;
	v0 =	vadd.f32 v0, v63  }
0x2e: {  	p0 =	sne.s32 s14, s8  }
.Ltmp1:
0x2f: {  	[tilespmem:s16+$0x7800] =	vst v0;
	(pc) =	sbr.rel @p0 .LBB2_1-.Ltmp1, $4  }
0x30: {  	[hbm4b:s7+s3] =	stream.linear.scatter [tilespmem:s13], [sflag:$0x1], $0x1400, $0x38;
	[tilespmem:$0x8C00] =	vst v63  }
0x31: {  	_ =	swait.ge [sflag:s9], $0x1400  }
0x32: {  	[sflag:s9] =	ssyncset.done $0x0  }
0x33: {  	[sflag:s9] =	ssyncadd.s32 $0xFFFFEC00  }
0x34: {  	_ =	sfence.sel $0x180000  }
0x35: {  	[bflag:$0x0] =	sbarrier.arrive $0xFFFF  }
0x36: {  	p0 =	sne.s32 s0, $0x0;
	_ =	strace $0x90000053  }
0x37: {  	s0 =	sadd.s32 @!p0 $0x100000, s1;
	[bflag:$0x2] =	sbarrier.arrive $0xFFFF  }
0x38: {  	[sflag:s0] =	ssyncadd.tile.s32 @!p0 $0x1;
	_ =	shalt  }
.Lfunc_end2:
_tile_overlayer_lowered:
.L_overlay_start_2:
0x39: {  	(tag) =	ssettag $0x2  }
0x3a: {  	s0 =	rddreg [dreg:$0x0];
	s2 =	stileid.u32  }
0x3b: {  	s1 =	rddreg [dreg:$0x1];
	p0 =	sne.s32 s2, $0x0  }
0x3c: {  	s3 =	rddreg [dreg:$0x2];
	[bflag:$0x3] =	sbarrier.arrive $0xFFFF;
	s2 =	simm.s32 @!p0 $0x1C01  }
0x3d: {  	[timem:s3], [sflag:s2] =	dma.local @!p0 [hbm:s0], s1  }
0x3e: {  	s0 =	simm.s32 @!p0 $0x1  }
0x3f: {  	_ =	swait.ge @!p0 [sflag:s0], s1  }
0x40: {  	s1 =	ssub.s32 @!p0 $0x0, s1;
	[sflag:s0] =	ssyncset.done @!p0 $0x0  }
0x41: {  	[sflag:s0] =	ssyncadd.s32 @!p0 s1  }
0x42: {  	[bflag:$0x3] =	sbarrier.arrive $0xFFFF  }
0x43: {  	_ =	shalt  }

</sc_bundles>
